<compile_context>
chip_gen: v7x
topology: tpu7x:2x2x1
jax: 0.10.2.dev20260603
libtpu: 0.0.44.dev20260713+nightly
codegen_flags: <defaults>
</compile_context>

<pallas_src>
import math

import jax
import jax.numpy as jnp
from jax.experimental import pallas as pl

NUM_TO_SAMPLE = 1024
K = 10
_ROWS = 256

_ACOS_C = (
    1.5707963050,
    -0.2145988016,
    0.0889789874,
    -0.0501743046,
    0.0308918810,
    -0.0170881256,
    0.0066700901,
    -0.0012624911,
)


def _fps_body(px_ref, py_ref, pz_ref, fmask_ref):
    B, N = px_ref.shape
    px = px_ref[...]
    py = py_ref[...]
    pz = pz_ref[...]
    iota = jax.lax.broadcasted_iota(jnp.int32, (B, N), 1)

    def step(s, state):
        dists, far, fmask = state
        mask = iota == far[:, None]
        fmask = jnp.where(mask, 1.0, fmask)
        cx = jnp.sum(jnp.where(mask, px, 0.0), axis=1)
        cy = jnp.sum(jnp.where(mask, py, 0.0), axis=1)
        cz = jnp.sum(jnp.where(mask, pz, 0.0), axis=1)
        dx = px - cx[:, None]
        dy = py - cy[:, None]
        dz = pz - cz[:, None]
        d = dx * dx + dy * dy + dz * dz
        dists = jnp.minimum(dists, d)
        m = jnp.max(dists, axis=1)
        far_new = jnp.min(
            jnp.where(dists == m[:, None], iota, N), axis=1
        ).astype(jnp.int32)
        return dists, far_new, fmask

    dists0 = jnp.full((B, N), 1e10, dtype=jnp.float32)
    far0 = jnp.zeros((B,), dtype=jnp.int32)
    fmask0 = jnp.zeros((B, N), dtype=jnp.float32)
    _, _, fmask = jax.lax.fori_loop(
        0, NUM_TO_SAMPLE, step, (dists0, far0, fmask0)
    )
    fmask_ref[...] = fmask


def _fps_pallas(pos):
    B, N, _ = pos.shape
    fmask = pl.pallas_call(
        _fps_body,
        out_shape=jax.ShapeDtypeStruct((B, N), jnp.float32),
    )(pos[:, :, 0], pos[:, :, 1], pos[:, :, 2])
    return fmask


def _feat_body(px_ref, py_ref, pz_ref, bx_ref, by_ref, bz_ref, xx_ref,
               pxi_ref, pyi_ref, pzi_ref, bxi_ref, byi_ref, bzi_ref,
               xxi_ref, xf0_ref, xf1_ref, xf2_ref,
               ip_ref, d2_ref):
    R = _ROWS
    N = px_ref.shape[2]
    pxj = px_ref[0, :, :]
    pyj = py_ref[0, :, :]
    pzj = pz_ref[0, :, :]
    bxj = bx_ref[0, :, :]
    byj = by_ref[0, :, :]
    bzj = bz_ref[0, :, :]
    xxj = xx_ref[0, :, :]
    pxi = pxi_ref[0, :, :]
    pyi = pyi_ref[0, :, :]
    pzi = pzi_ref[0, :, :]
    bxi = bxi_ref[0, :, :]
    byi = byi_ref[0, :, :]
    bzi = bzi_ref[0, :, :]
    xxi = xxi_ref[0, :, :]
    xf0 = xf0_ref[0, :, :]
    xf1 = xf1_ref[0, :, :]
    xf2 = xf2_ref[0, :, :]

    dx = pxi - pxj
    dy = pyi - pyj
    dz = pzi - pzj
    d2 = dx * dx + dy * dy + dz * dz
    g = xf0 * pxj + xf1 * pyj + xf2 * pzj
    m3 = (bxi * bxj + byi * byj) + bzi * bzj
    inner = -2.0 * m3
    key = ((-xxi) - inner) - xxj

    iota = jax.lax.broadcasted_iota(jnp.int32, (R, N), 1).astype(jnp.float32)
    big = jnp.float32(3.4e38)
    nf = jnp.float32(N)
    keyw = key
    for t in range(K):
        m = jnp.max(keyw, axis=1, keepdims=True)
        amin = jnp.min(
            jnp.where(keyw == m, iota, nf), axis=1, keepdims=True
        )
        sel = iota == amin
        ip_ref[0, 0, :, t] = jnp.sum(jnp.where(sel, g, 0.0), axis=1)
        d2_ref[0, 0, :, t] = jnp.sum(jnp.where(sel, d2, 0.0), axis=1)
        keyw = jnp.where(sel, -big, keyw)


def _knn_feats(pos, x):
    B, N, _ = pos.shape
    nb = N // _ROWS
    grid = (B, nb)
    posb = pos.astype(jnp.bfloat16).astype(jnp.float32)
    xx = jnp.sum(jnp.swapaxes(pos, 1, 2) ** 2, axis=1)
    row_spec = pl.BlockSpec((1, 1, N), lambda b, r: (b, 0, 0))
    col_spec = pl.BlockSpec((1, _ROWS, 1), lambda b, r: (b, r, 0))
    out_spec = pl.BlockSpec((1, 1, _ROWS, K), lambda b, r: (b, r, 0, 0))
    oshape = jax.ShapeDtypeStruct((B, nb, _ROWS, K), jnp.float32)
    ip, d2 = pl.pallas_call(
        _feat_body,
        grid=grid,
        in_specs=[row_spec] * 7 + [col_spec] * 10,
        out_specs=(out_spec, out_spec),
        out_shape=(oshape, oshape),
    )(pos[:, None, :, 0], pos[:, None, :, 1], pos[:, None, :, 2],
      posb[:, None, :, 0], posb[:, None, :, 1], posb[:, None, :, 2],
      xx[:, None, :],
      pos[:, :, 0:1], pos[:, :, 1:2], pos[:, :, 2:3],
      posb[:, :, 0:1], posb[:, :, 1:2], posb[:, :, 2:3],
      xx[:, :, None],
      x[:, 0, :, None], x[:, 1, :, None], x[:, 2, :, None])
    return ip.reshape(B, N, K), d2.reshape(B, N, K)


def _gather1(arr, idx):
    return jax.vmap(lambda a, i: a[i])(arr, idx)


def kernel(x, pos, sample_W, sample_b):
    B, N = pos.shape[0], pos.shape[1]
    k = K
    fmask = _fps_pallas(jax.lax.stop_gradient(pos))
    fps_feature = (fmask - fmask.mean()) / fmask.sum()
    ip, d2 = _knn_feats(pos, x)
    ip = jnp.clip(ip, -1.0, 1.0)
    angle = jnp.arccos(ip)
    thr = math.pi / 2
    angle = jnp.where(angle > thr, math.pi - angle, angle)
    angle = angle.sum(axis=-1)
    curv = (angle - angle.mean()) / angle.sum()
    dists = jnp.sqrt(d2 + 1e-12)
    dmax = dists.max(axis=-1)
    dense = k / (dmax ** 3)
    inf_mask = jnp.isinf(dense)
    max_val = jnp.max(jnp.where(inf_mask, -jnp.inf, dense))
    dense = jnp.where(inf_mask, max_val, dense)
    dense = (dense - dense.mean()) / dense.sum()
    sampling_feats = jnp.stack([fps_feature, curv, dense], axis=-1)
    opt = (sampling_feats @ sample_W.T + sample_b)[..., 0]
    smax = jax.nn.softmax(opt, axis=1)
    topv, topi = jax.lax.top_k(smax, NUM_TO_SAMPLE)
    dist_loss = dmax + dists.mean(axis=-1)
    shorlisted_loss = _gather1(dist_loss, topi)
    sampling_loss = dist_loss * smax
    total_loss = sampling_loss.mean()
    bdist_mean = jnp.sum(dist_loss * fmask) / (B * NUM_TO_SAMPLE)
    losses = jnp.stack(
        [total_loss, sampling_loss.mean(), shorlisted_loss.mean(), bdist_mean]
    )
    return topi, losses

# --- scband reference (transcript-rebuilt; emitter-appended) ---
"""Pipeline reference for scband-conditional-fps-74234214744566 (READ-ONLY COPY).

The authoritative reference and input builder live on the scoring server;
editing this copy changes nothing except your own understanding.
"""

import jax, jax.numpy as jnp
import numpy as np
import math

NUM_TO_SAMPLE = 1024
K = 10


def furthest_point_sample(pos, S):
    # iterative FPS, start at index 0 (standard pointnet2 convention)
    B, N, _ = pos.shape
    def step(state, _):
        dists, farthest = state
        centroid = jnp.take_along_axis(pos, farthest[:, None, None], axis=1)  # (B,1,3)
        d = jnp.sum((pos - centroid) ** 2, axis=-1)
        dists = jnp.minimum(dists, d)
        new_farthest = jnp.argmax(dists, axis=1).astype(jnp.int32)
        return (dists, new_farthest), farthest
    init = (jnp.full((B, N), 1e10, dtype=pos.dtype), jnp.zeros((B,), dtype=jnp.int32))
    _, idxs = jax.lax.scan(step, init, None, length=S)
    return jnp.transpose(idxs)  # (B,S)


def knn(x, k):
    # x: (B, 3, N)
    inner = -2.0 * jnp.matmul(jnp.swapaxes(x, 2, 1), x)
    xx = jnp.sum(x ** 2, axis=1, keepdims=True)
    pairwise = -xx - inner - jnp.swapaxes(xx, 2, 1)
    _, idx = jax.lax.top_k(pairwise, k)
    return idx  # (B, N, k)


def _gather1(arr, idx):
    return jax.vmap(lambda a, i: a[i])(arr, idx)


def _safe_norm(d):
    return jnp.sqrt(jnp.sum(d * d, axis=-1) + 1e-12)


def _forward(x, pos, sample_W, sample_b):
    B, N = pos.shape[0], pos.shape[1]
    k = K
    xt = jnp.swapaxes(x, 1, 2)  # (B,N,3)
    p_idx = furthest_point_sample(jax.lax.stop_gradient(pos), NUM_TO_SAMPLE)  # (B,S)
    fps_feature = jnp.zeros((B, N), dtype=pos.dtype).at[jnp.arange(B)[:, None], p_idx].set(1.0)
    fps_feature = (fps_feature - fps_feature.mean()) / fps_feature.sum()
    idxs = knn(jnp.swapaxes(pos, 1, 2), k)  # (B,N,k)
    xn = _gather1(pos, idxs)  # (B,N,k,3) = grouped neighbor coords
    pc = jnp.concatenate([pos, xt], axis=-1)  # (B,N,6)
    # curvature
    ip = jnp.sum(xn * pc[:, :, None, 3:], axis=-1)
    ip = jnp.clip(ip, -1.0, 1.0)
    angle = jnp.arccos(ip)
    thr = math.pi / 2
    angle = jnp.where(angle > thr, math.pi - angle, angle)
    angle = angle.sum(axis=-1)
    curv = (angle - angle.mean()) / angle.sum()
    # density
    max_distance = _safe_norm(xn[..., :3] - pc[:, :, None, :3]).max(axis=-1)
    dense = k / (max_distance ** 3)
    inf_mask = jnp.isinf(dense)
    max_val = jnp.max(jnp.where(inf_mask, -jnp.inf, dense))
    dense = jnp.where(inf_mask, max_val, dense)
    dense = (dense - dense.mean()) / dense.sum()
    sampling_feats = jnp.stack([fps_feature, curv, dense], axis=-1)  # (B,N,3)
    opt = (sampling_feats @ sample_W.T + sample_b)[..., 0]  # (B,N)
    smax = jax.nn.softmax(opt, axis=1)
    topv, topi = jax.lax.top_k(smax, NUM_TO_SAMPLE)  # (B,S)
    point_output = _gather1(pos, topi)  # (B,S,3)
    nbrs = _gather1(xn, topi)  # (B,S,k,3)
    shorlisted = _safe_norm(point_output[:, :, None, :] - nbrs)  # (B,S,k)
    shorlisted_loss = shorlisted.max(axis=-1) + shorlisted.mean(axis=-1)
    diff = pos[:, :, None, :] - xn
    dists = _safe_norm(diff)  # (B,N,k)
    dist_loss = dists.max(axis=-1) + dists.mean(axis=-1)
    sampling_loss = dist_loss * smax
    total_loss = sampling_loss.mean()
    baseline_nbrs = _gather1(xn, p_idx)  # (B,S,k,3)
    baseline_pnts = _gather1(pos, p_idx)  # (B,S,3)
    baseline_dists = _safe_norm(baseline_pnts[:, :, None, :] - baseline_nbrs)
    bdist_loss = baseline_dists.max(axis=-1) + baseline_dists.mean(axis=-1)
    losses = jnp.stack([total_loss, sampling_loss.mean(), shorlisted_loss.mean(), bdist_loss.mean()])
    return topi, losses


def setup_inputs(seed: int = 0) -> dict:
    key = jax.random.key(seed)
    k1, k2, k3 = jax.random.split(key, 3)
    x = jax.random.normal(k1, (4, 3, 4096), dtype=jnp.float32)
    pos = jax.random.normal(k2, (4, 4096, 3), dtype=jnp.float32)
    sample_W = jax.random.normal(k3, (1, 3), dtype=jnp.float32) * 0.5
    sample_b = jnp.zeros((1,), dtype=jnp.float32)
    return {"x": x, "pos": pos, "sample_W": sample_W, "sample_b": sample_b}


def reference(x, pos, sample_W, sample_b):
    return _forward(x, pos, sample_W, sample_b)

if __name__ == "__main__":
    import jax
    _d = setup_inputs()
    print(jax.jit(kernel)(*tuple(_d.values())))

</pallas_src>

<mosaic_0001>
module attributes {stable_mosaic.version = 14 : i64} {
  func.func @_fps_body(%arg0: memref<4x4096xf32, #tpu.memory_space<vmem>>, %arg1: memref<4x4096xf32, #tpu.memory_space<vmem>>, %arg2: memref<4x4096xf32, #tpu.memory_space<vmem>>, %arg3: memref<4x4096xf32, #tpu.memory_space<vmem>>) attributes {dimension_semantics = [], scalar_prefetch = 0 : i64, scratch_operands = 0 : i64, tpu.core_type = #tpu.core_type<tc>} {
    %get3A = arith.constant 0 : index
    %get3A_0 = arith.constant 0 : index
    %get3A_1 = vector.load %arg0[%get3A, %get3A_0] : memref<4x4096xf32, #tpu.memory_space<vmem>>, vector<4x4096xf32>
    %get3A_2 = arith.constant 0 : index
    %get3A_3 = arith.constant 0 : index
    %get3A_4 = vector.load %arg1[%get3A_2, %get3A_3] : memref<4x4096xf32, #tpu.memory_space<vmem>>, vector<4x4096xf32>
    %get3A_5 = arith.constant 0 : index
    %get3A_6 = arith.constant 0 : index
    %get3A_7 = vector.load %arg2[%get3A_5, %get3A_6] : memref<4x4096xf32, #tpu.memory_space<vmem>>, vector<4x4096xf32>
    %iota3A = tpu.iota {dimensions = array<i32: 1>} : vector<4x4096xi32>
    %broadcast_in_dim3A = arith.constant 1.000000e+10 : f32
    %broadcast_in_dim3A_8 = vector.broadcast %broadcast_in_dim3A : f32 to vector<4x4096xf32>
    %broadcast_in_dim3A_9 = arith.constant 0 : i32
    %broadcast_in_dim3A_10 = vector.broadcast %broadcast_in_dim3A_9 : i32 to vector<4xi32>
    %broadcast_in_dim3A_11 = arith.constant 0.000000e+00 : f32
    %broadcast_in_dim3A_12 = vector.broadcast %broadcast_in_dim3A_11 : f32 to vector<4x4096xf32>
    %scan3A = arith.constant 0 : i32
    %scan3A_13 = arith.constant 1024 : i32
    %scan3A_14 = arith.addi %scan3A, %scan3A_13 : i32
    %scan3A_15 = arith.constant 1 : i32
    %scan3A_16:3 = scf.for %scan3A_19 = %scan3A to %scan3A_14 step %scan3A_15 iter_args(%scan3A_20 = %broadcast_in_dim3A_8, %scan3A_21 = %broadcast_in_dim3A_10, %scan3A_22 = %broadcast_in_dim3A_12) -> (vector<4x4096xf32>, vector<4xi32>, vector<4x4096xf32>)  : i32 {
      %broadcast_in_dim3A_23 = vector.shape_cast %scan3A_21 : vector<4xi32> to vector<4x1xi32>
      %eq3A = vector.broadcast %broadcast_in_dim3A_23 : vector<4x1xi32> to vector<4x4096xi32>
      %eq3A_24 = arith.cmpi eq, %iota3A, %eq3A : vector<4x4096xi32>
      %jit3A = arith.constant 1.000000e+00 : f32
      %broadcast_in_dim3A_25 = vector.broadcast %jit3A : f32 to vector<4x4096xf32>
      %select_n3A = arith.select %eq3A_24, %broadcast_in_dim3A_25, %scan3A_22 : vector<4x4096xi1>, vector<4x4096xf32>
      %jit3A_26 = arith.constant 0.000000e+00 : f32
      %broadcast_in_dim3A_27 = vector.broadcast %jit3A_26 : f32 to vector<4x4096xf32>
      %select_n3A_28 = arith.select %eq3A_24, %get3A_1, %broadcast_in_dim3A_27 : vector<4x4096xi1>, vector<4x4096xf32>
      %reduce_sum3A = arith.constant dense<0.000000e+00> : vector<4xf32>
      %reduce_sum3A_29 = vector.multi_reduction <add>, %select_n3A_28, %reduce_sum3A [1] : vector<4x4096xf32> to vector<4xf32>
      %jit3A_30 = arith.constant 0.000000e+00 : f32
      %broadcast_in_dim3A_31 = vector.broadcast %jit3A_30 : f32 to vector<4x4096xf32>
      %select_n3A_32 = arith.select %eq3A_24, %get3A_4, %broadcast_in_dim3A_31 : vector<4x4096xi1>, vector<4x4096xf32>
      %reduce_sum3A_33 = arith.constant dense<0.000000e+00> : vector<4xf32>
      %reduce_sum3A_34 = vector.multi_reduction <add>, %select_n3A_32, %reduce_sum3A_33 [1] : vector<4x4096xf32> to vector<4xf32>
      %jit3A_35 = arith.constant 0.000000e+00 : f32
      %broadcast_in_dim3A_36 = vector.broadcast %jit3A_35 : f32 to vector<4x4096xf32>
      %select_n3A_37 = arith.select %eq3A_24, %get3A_7, %broadcast_in_dim3A_36 : vector<4x4096xi1>, vector<4x4096xf32>
      %reduce_sum3A_38 = arith.constant dense<0.000000e+00> : vector<4xf32>
      %reduce_sum3A_39 = vector.multi_reduction <add>, %select_n3A_37, %reduce_sum3A_38 [1] : vector<4x4096xf32> to vector<4xf32>
      %broadcast_in_dim3A_40 = vector.shape_cast %reduce_sum3A_29 : vector<4xf32> to vector<4x1xf32>
      %sub3A = vector.broadcast %broadcast_in_dim3A_40 : vector<4x1xf32> to vector<4x4096xf32>
      %sub3A_41 = arith.subf %get3A_1, %sub3A : vector<4x4096xf32>
      %broadcast_in_dim3A_42 = vector.shape_cast %reduce_sum3A_34 : vector<4xf32> to vector<4x1xf32>
      %sub3A_43 = vector.broadcast %broadcast_in_dim3A_42 : vector<4x1xf32> to vector<4x4096xf32>
      %sub3A_44 = arith.subf %get3A_4, %sub3A_43 : vector<4x4096xf32>
      %broadcast_in_dim3A_45 = vector.shape_cast %reduce_sum3A_39 : vector<4xf32> to vector<4x1xf32>
      %sub3A_46 = vector.broadcast %broadcast_in_dim3A_45 : vector<4x1xf32> to vector<4x4096xf32>
      %sub3A_47 = arith.subf %get3A_7, %sub3A_46 : vector<4x4096xf32>
      %mul3A = arith.mulf %sub3A_41, %sub3A_41 : vector<4x4096xf32>
      %mul3A_48 = arith.mulf %sub3A_44, %sub3A_44 : vector<4x4096xf32>
      %add3A = arith.addf %mul3A, %mul3A_48 : vector<4x4096xf32>
      %mul3A_49 = arith.mulf %sub3A_47, %sub3A_47 : vector<4x4096xf32>
      %add3A_50 = arith.addf %add3A, %mul3A_49 : vector<4x4096xf32>
      %min3A = arith.minimumf %scan3A_20, %add3A_50 : vector<4x4096xf32>
      %reduce_max3A = arith.constant dense<0xFF800000> : vector<4xf32>
      %reduce_max3A_51 = vector.multi_reduction <maximumf>, %min3A, %reduce_max3A [1] : vector<4x4096xf32> to vector<4xf32>
      %broadcast_in_dim3A_52 = vector.shape_cast %reduce_max3A_51 : vector<4xf32> to vector<4x1xf32>
      %eq3A_53 = vector.broadcast %broadcast_in_dim3A_52 : vector<4x1xf32> to vector<4x4096xf32>
      %eq3A_54 = arith.cmpf oeq, %min3A, %eq3A_53 : vector<4x4096xf32>
      %jit3A_55 = arith.constant 4096 : i32
      %broadcast_in_dim3A_56 = vector.broadcast %jit3A_55 : i32 to vector<4x4096xi32>
      %select_n3A_57 = arith.select %eq3A_54, %iota3A, %broadcast_in_dim3A_56 : vector<4x4096xi1>, vector<4x4096xi32>
      %reduce_min3A = arith.constant dense<2147483647> : vector<4xi32>
      %reduce_min3A_58 = vector.multi_reduction <minsi>, %select_n3A_57, %reduce_min3A [1] : vector<4x4096xi32> to vector<4xi32>
      scf.yield %min3A, %reduce_min3A_58, %select_n3A : vector<4x4096xf32>, vector<4xi32>, vector<4x4096xf32>
    }
    %swap3A = arith.constant 0 : index
    %swap3A_17 = arith.constant 0 : index
    %swap3A_18 = vector.load %arg3[%swap3A, %swap3A_17] : memref<4x4096xf32, #tpu.memory_space<vmem>>, vector<4x4096xf32>
    tpu.vector_store %arg3[%swap3A, %swap3A_17], %scan3A_16#2 {strides = array<i32>} : memref<4x4096xf32, #tpu.memory_space<vmem>>, vector<4x4096xf32>,
    return
  }
}

module attributes {stable_mosaic.version = 14 : i64} {
  func.func @_feat_body(%arg0: i32, %arg1: i32, %arg2: memref<1x1x4096xf32, #tpu.memory_space<vmem>>, %arg3: memref<1x1x4096xf32, #tpu.memory_space<vmem>>, %arg4: memref<1x1x4096xf32, #tpu.memory_space<vmem>>, %arg5: memref<1x1x4096xf32, #tpu.memory_space<vmem>>, %arg6: memref<1x1x4096xf32, #tpu.memory_space<vmem>>, %arg7: memref<1x1x4096xf32, #tpu.memory_space<vmem>>, %arg8: memref<1x1x4096xf32, #tpu.memory_space<vmem>>, %arg9: memref<1x256x1xf32, #tpu.memory_space<vmem>>, %arg10: memref<1x256x1xf32, #tpu.memory_space<vmem>>, %arg11: memref<1x256x1xf32, #tpu.memory_space<vmem>>, %arg12: memref<1x256x1xf32, #tpu.memory_space<vmem>>, %arg13: memref<1x256x1xf32, #tpu.memory_space<vmem>>, %arg14: memref<1x256x1xf32, #tpu.memory_space<vmem>>, %arg15: memref<1x256x1xf32, #tpu.memory_space<vmem>>, %arg16: memref<1x256x1xf32, #tpu.memory_space<vmem>>, %arg17: memref<1x256x1xf32, #tpu.memory_space<vmem>>, %arg18: memref<1x256x1xf32, #tpu.memory_space<vmem>>, %arg19: memref<1x1x256x10xf32, #tpu.memory_space<vmem>>, %arg20: memref<1x1x256x10xf32, #tpu.memory_space<vmem>>) attributes {dimension_semantics = [#tpu.dimension_semantics<arbitrary>, #tpu.dimension_semantics<arbitrary>], iteration_bounds = array<i64: 4, 16>, scalar_prefetch = 0 : i64, scratch_operands = 0 : i64, tpu.core_type = #tpu.core_type<tc>, window_params = [{transform_indices = @transform_0, window_bounds = array<i64: 1, 1, 4096>}, {transform_indices = @transform_1, window_bounds = array<i64: 1, 1, 4096>}, {transform_indices = @transform_2, window_bounds = array<i64: 1, 1, 4096>}, {transform_indices = @transform_3, window_bounds = array<i64: 1, 1, 4096>}, {transform_indices = @transform_4, window_bounds = array<i64: 1, 1, 4096>}, {transform_indices = @transform_5, window_bounds = array<i64: 1, 1, 4096>}, {transform_indices = @transform_6, window_bounds = array<i64: 1, 1, 4096>}, {transform_indices = @transform_7, window_bounds = array<i64: 1, 256, 1>}, {transform_indices = @transform_8, window_bounds = array<i64: 1, 256, 1>}, {transform_indices = @transform_9, window_bounds = array<i64: 1, 256, 1>}, {transform_indices = @transform_10, window_bounds = array<i64: 1, 256, 1>}, {transform_indices = @transform_11, window_bounds = array<i64: 1, 256, 1>}, {transform_indices = @transform_12, window_bounds = array<i64: 1, 256, 1>}, {transform_indices = @transform_13, window_bounds = array<i64: 1, 256, 1>}, {transform_indices = @transform_14, window_bounds = array<i64: 1, 256, 1>}, {transform_indices = @transform_15, window_bounds = array<i64: 1, 256, 1>}, {transform_indices = @transform_16, window_bounds = array<i64: 1, 256, 1>}, {transform_indices = @transform_17, window_bounds = array<i64: 1, 1, 256, 10>}, {transform_indices = @transform_18, window_bounds = array<i64: 1, 1, 256, 10>}]} {
    %get3A = arith.constant 0 : index
    %get3A_0 = arith.constant 0 : index
    %get3A_1 = arith.constant 0 : index
    %get3A_2 = vector.load %arg2[%get3A, %get3A_0, %get3A_1] : memref<1x1x4096xf32, #tpu.memory_space<vmem>>, vector<1x1x4096xf32>
    %get3A_3 = vector.shape_cast %get3A_2 : vector<1x1x4096xf32> to vector<1x4096xf32>
    %get3A_4 = arith.constant 0 : index
    %get3A_5 = arith.constant 0 : index
    %get3A_6 = arith.constant 0 : index
    %get3A_7 = vector.load %arg3[%get3A_4, %get3A_5, %get3A_6] : memref<1x1x4096xf32, #tpu.memory_space<vmem>>, vector<1x1x4096xf32>
    %get3A_8 = vector.shape_cast %get3A_7 : vector<1x1x4096xf32> to vector<1x4096xf32>
    %get3A_9 = arith.constant 0 : index
    %get3A_10 = arith.constant 0 : index
    %get3A_11 = arith.constant 0 : index
    %get3A_12 = vector.load %arg4[%get3A_9, %get3A_10, %get3A_11] : memref<1x1x4096xf32, #tpu.memory_space<vmem>>, vector<1x1x4096xf32>
    %get3A_13 = vector.shape_cast %get3A_12 : vector<1x1x4096xf32> to vector<1x4096xf32>
    %get3A_14 = arith.constant 0 : index
    %get3A_15 = arith.constant 0 : index
    %get3A_16 = arith.constant 0 : index
    %get3A_17 = vector.load %arg5[%get3A_14, %get3A_15, %get3A_16] : memref<1x1x4096xf32, #tpu.memory_space<vmem>>, vector<1x1x4096xf32>
    %get3A_18 = vector.shape_cast %get3A_17 : vector<1x1x4096xf32> to vector<1x4096xf32>
    %get3A_19 = arith.constant 0 : index
    %get3A_20 = arith.constant 0 : index
    %get3A_21 = arith.constant 0 : index
    %get3A_22 = vector.load %arg6[%get3A_19, %get3A_20, %get3A_21] : memref<1x1x4096xf32, #tpu.memory_space<vmem>>, vector<1x1x4096xf32>
    %get3A_23 = vector.shape_cast %get3A_22 : vector<1x1x4096xf32> to vector<1x4096xf32>
    %get3A_24 = arith.constant 0 : index
    %get3A_25 = arith.constant 0 : index
    %get3A_26 = arith.constant 0 : index
    %get3A_27 = vector.load %arg7[%get3A_24, %get3A_25, %get3A_26] : memref<1x1x4096xf32, #tpu.memory_space<vmem>>, vector<1x1x4096xf32>
    %get3A_28 = vector.shape_cast %get3A_27 : vector<1x1x4096xf32> to vector<1x4096xf32>
    %get3A_29 = arith.constant 0 : index
    %get3A_30 = arith.constant 0 : index
    %get3A_31 = arith.constant 0 : index
    %get3A_32 = vector.load %arg8[%get3A_29, %get3A_30, %get3A_31] : memref<1x1x4096xf32, #tpu.memory_space<vmem>>, vector<1x1x4096xf32>
    %get3A_33 = vector.shape_cast %get3A_32 : vector<1x1x4096xf32> to vector<1x4096xf32>
    %get3A_34 = arith.constant 0 : index
    %get3A_35 = arith.constant 0 : index
    %get3A_36 = arith.constant 0 : index
    %get3A_37 = vector.load %arg9[%get3A_34, %get3A_35, %get3A_36] : memref<1x256x1xf32, #tpu.memory_space<vmem>>, vector<1x256x1xf32>
    %get3A_38 = vector.shape_cast %get3A_37 : vector<1x256x1xf32> to vector<256x1xf32>
    %get3A_39 = arith.constant 0 : index
    %get3A_40 = arith.constant 0 : index
    %get3A_41 = arith.constant 0 : index
    %get3A_42 = vector.load %arg10[%get3A_39, %get3A_40, %get3A_41] : memref<1x256x1xf32, #tpu.memory_space<vmem>>, vector<1x256x1xf32>
    %get3A_43 = vector.shape_cast %get3A_42 : vector<1x256x1xf32> to vector<256x1xf32>
    %get3A_44 = arith.constant 0 : index
    %get3A_45 = arith.constant 0 : index
    %get3A_46 = arith.constant 0 : index
    %get3A_47 = vector.load %arg11[%get3A_44, %get3A_45, %get3A_46] : memref<1x256x1xf32, #tpu.memory_space<vmem>>, vector<1x256x1xf32>
    %get3A_48 = vector.shape_cast %get3A_47 : vector<1x256x1xf32> to vector<256x1xf32>
    %get3A_49 = arith.constant 0 : index
    %get3A_50 = arith.constant 0 : index
    %get3A_51 = arith.constant 0 : index
    %get3A_52 = vector.load %arg12[%get3A_49, %get3A_50, %get3A_51] : memref<1x256x1xf32, #tpu.memory_space<vmem>>, vector<1x256x1xf32>
    %get3A_53 = vector.shape_cast %get3A_52 : vector<1x256x1xf32> to vector<256x1xf32>
    %get3A_54 = arith.constant 0 : index
    %get3A_55 = arith.constant 0 : index
    %get3A_56 = arith.constant 0 : index
    %get3A_57 = vector.load %arg13[%get3A_54, %get3A_55, %get3A_56] : memref<1x256x1xf32, #tpu.memory_space<vmem>>, vector<1x256x1xf32>
    %get3A_58 = vector.shape_cast %get3A_57 : vector<1x256x1xf32> to vector<256x1xf32>
    %get3A_59 = arith.constant 0 : index
    %get3A_60 = arith.constant 0 : index
    %get3A_61 = arith.constant 0 : index
    %get3A_62 = vector.load %arg14[%get3A_59, %get3A_60, %get3A_61] : memref<1x256x1xf32, #tpu.memory_space<vmem>>, vector<1x256x1xf32>
    %get3A_63 = vector.shape_cast %get3A_62 : vector<1x256x1xf32> to vector<256x1xf32>
    %get3A_64 = arith.constant 0 : index
    %get3A_65 = arith.constant 0 : index
    %get3A_66 = arith.constant 0 : index
    %get3A_67 = vector.load %arg15[%get3A_64, %get3A_65, %get3A_66] : memref<1x256x1xf32, #tpu.memory_space<vmem>>, vector<1x256x1xf32>
    %get3A_68 = vector.shape_cast %get3A_67 : vector<1x256x1xf32> to vector<256x1xf32>
    %get3A_69 = arith.constant 0 : index
    %get3A_70 = arith.constant 0 : index
    %get3A_71 = arith.constant 0 : index
    %get3A_72 = vector.load %arg16[%get3A_69, %get3A_70, %get3A_71] : memref<1x256x1xf32, #tpu.memory_space<vmem>>, vector<1x256x1xf32>
    %get3A_73 = vector.shape_cast %get3A_72 : vector<1x256x1xf32> to vector<256x1xf32>
    %get3A_74 = arith.constant 0 : index
    %get3A_75 = arith.constant 0 : index
    %get3A_76 = arith.constant 0 : index
    %get3A_77 = vector.load %arg17[%get3A_74, %get3A_75, %get3A_76] : memref<1x256x1xf32, #tpu.memory_space<vmem>>, vector<1x256x1xf32>
    %get3A_78 = vector.shape_cast %get3A_77 : vector<1x256x1xf32> to vector<256x1xf32>
    %get3A_79 = arith.constant 0 : index
    %get3A_80 = arith.constant 0 : index
    %get3A_81 = arith.constant 0 : index
    %get3A_82 = vector.load %arg18[%get3A_79, %get3A_80, %get3A_81] : memref<1x256x1xf32, #tpu.memory_space<vmem>>, vector<1x256x1xf32>
    %get3A_83 = vector.shape_cast %get3A_82 : vector<1x256x1xf32> to vector<256x1xf32>
    %sub3A = vector.broadcast %get3A_38 : vector<256x1xf32> to vector<256x4096xf32>
    %sub3A_84 = vector.broadcast %get3A_3 : vector<1x4096xf32> to vector<256x4096xf32>
    %sub3A_85 = arith.subf %sub3A, %sub3A_84 : vector<256x4096xf32>
    %sub3A_86 = vector.broadcast %get3A_43 : vector<256x1xf32> to vector<256x4096xf32>
    %sub3A_87 = vector.broadcast %get3A_8 : vector<1x4096xf32> to vector<256x4096xf32>
    %sub3A_88 = arith.subf %sub3A_86, %sub3A_87 : vector<256x4096xf32>
    %sub3A_89 = vector.broadcast %get3A_48 : vector<256x1xf32> to vector<256x4096xf32>
    %sub3A_90 = vector.broadcast %get3A_13 : vector<1x4096xf32> to vector<256x4096xf32>
    %sub3A_91 = arith.subf %sub3A_89, %sub3A_90 : vector<256x4096xf32>
    %mul3A = arith.mulf %sub3A_85, %sub3A_85 : vector<256x4096xf32>
    %mul3A_92 = arith.mulf %sub3A_88, %sub3A_88 : vector<256x4096xf32>
    %add3A = arith.addf %mul3A, %mul3A_92 : vector<256x4096xf32>
    %mul3A_93 = arith.mulf %sub3A_91, %sub3A_91 : vector<256x4096xf32>
    %add3A_94 = arith.addf %add3A, %mul3A_93 : vector<256x4096xf32>
    %mul3A_95 = vector.broadcast %get3A_73 : vector<256x1xf32> to vector<256x4096xf32>
    %mul3A_96 = vector.broadcast %get3A_3 : vector<1x4096xf32> to vector<256x4096xf32>
    %mul3A_97 = arith.mulf %mul3A_95, %mul3A_96 : vector<256x4096xf32>
    %mul3A_98 = vector.broadcast %get3A_78 : vector<256x1xf32> to vector<256x4096xf32>
    %mul3A_99 = vector.broadcast %get3A_8 : vector<1x4096xf32> to vector<256x4096xf32>
    %mul3A_100 = arith.mulf %mul3A_98, %mul3A_99 : vector<256x4096xf32>
    %add3A_101 = arith.addf %mul3A_97, %mul3A_100 : vector<256x4096xf32>
    %mul3A_102 = vector.broadcast %get3A_83 : vector<256x1xf32> to vector<256x4096xf32>
    %mul3A_103 = vector.broadcast %get3A_13 : vector<1x4096xf32> to vector<256x4096xf32>
    %mul3A_104 = arith.mulf %mul3A_102, %mul3A_103 : vector<256x4096xf32>
    %add3A_105 = arith.addf %add3A_101, %mul3A_104 : vector<256x4096xf32>
    %mul3A_106 = vector.broadcast %get3A_53 : vector<256x1xf32> to vector<256x4096xf32>
    %mul3A_107 = vector.broadcast %get3A_18 : vector<1x4096xf32> to vector<256x4096xf32>
    %mul3A_108 = arith.mulf %mul3A_106, %mul3A_107 : vector<256x4096xf32>
    %mul3A_109 = vector.broadcast %get3A_58 : vector<256x1xf32> to vector<256x4096xf32>
    %mul3A_110 = vector.broadcast %get3A_23 : vector<1x4096xf32> to vector<256x4096xf32>
    %mul3A_111 = arith.mulf %mul3A_109, %mul3A_110 : vector<256x4096xf32>
    %add3A_112 = arith.addf %mul3A_108, %mul3A_111 : vector<256x4096xf32>
    %mul3A_113 = vector.broadcast %get3A_63 : vector<256x1xf32> to vector<256x4096xf32>
    %mul3A_114 = vector.broadcast %get3A_28 : vector<1x4096xf32> to vector<256x4096xf32>
    %mul3A_115 = arith.mulf %mul3A_113, %mul3A_114 : vector<256x4096xf32>
    %add3A_116 = arith.addf %add3A_112, %mul3A_115 : vector<256x4096xf32>
    %mul3A_117 = arith.constant -2.000000e+00 : f32
    %mul3A_118 = vector.broadcast %mul3A_117 : f32 to vector<256x4096xf32>
    %mul3A_119 = arith.mulf %mul3A_118, %add3A_116 : vector<256x4096xf32>
    %neg3A = arith.constant 0.000000e+00 : f32
    %neg3A_120 = vector.broadcast %neg3A : f32 to vector<256x1xf32>
    %neg3A_121 = arith.subf %neg3A_120, %get3A_68 : vector<256x1xf32>
    %sub3A_122 = vector.broadcast %neg3A_121 : vector<256x1xf32> to vector<256x4096xf32>
    %sub3A_123 = arith.subf %sub3A_122, %mul3A_119 : vector<256x4096xf32>
    %sub3A_124 = vector.broadcast %get3A_33 : vector<1x4096xf32> to vector<256x4096xf32>
    %sub3A_125 = arith.subf %sub3A_123, %sub3A_124 : vector<256x4096xf32>
    %iota3A = tpu.iota {dimensions = array<i32: 1>} : vector<256x4096xi32>
    %convert_element_type3A = arith.sitofp %iota3A : vector<256x4096xi32> to vector<256x4096xf32>
    %reduce_max3A = arith.constant dense<0xFF800000> : vector<256xf32>
    %reduce_max3A_126 = vector.multi_reduction <maximumf>, %sub3A_125, %reduce_max3A [1] : vector<256x4096xf32> to vector<256xf32>
    %broadcast_in_dim3A = vector.shape_cast %reduce_max3A_126 : vector<256xf32> to vector<256x1xf32>
    %eq3A = vector.broadcast %broadcast_in_dim3A : vector<256x1xf32> to vector<256x4096xf32>
    %eq3A_127 = arith.cmpf oeq, %sub3A_125, %eq3A : vector<256x4096xf32>
    %jit3A = arith.constant 4.096000e+03 : f32
    %broadcast_in_dim3A_128 = vector.broadcast %jit3A : f32 to vector<256x4096xf32>
    %select_n3A = arith.select %eq3A_127, %convert_element_type3A, %broadcast_in_dim3A_128 : vector<256x4096xi1>, vector<256x4096xf32>
    %reduce_min3A = arith.constant dense<0x7F800000> : vector<256xf32>
    %reduce_min3A_129 = vector.multi_reduction <minimumf>, %select_n3A, %reduce_min3A [1] : vector<256x4096xf32> to vector<256xf32>
    %broadcast_in_dim3A_130 = vector.shape_cast %reduce_min3A_129 : vector<256xf32> to vector<256x1xf32>
    %eq3A_131 = vector.broadcast %broadcast_in_dim3A_130 : vector<256x1xf32> to vector<256x4096xf32>
    %eq3A_132 = arith.cmpf oeq, %convert_element_type3A, %eq3A_131 : vector<256x4096xf32>
    %jit3A_133 = arith.constant 0.000000e+00 : f32
    %broadcast_in_dim3A_134 = vector.broadcast %jit3A_133 : f32 to vector<256x4096xf32>
    %select_n3A_135 = arith.select %eq3A_132, %add3A_105, %broadcast_in_dim3A_134 : vector<256x4096xi1>, vector<256x4096xf32>
    %reduce_sum3A = arith.constant dense<0.000000e+00> : vector<256xf32>
    %reduce_sum3A_136 = vector.multi_reduction <add>, %select_n3A_135, %reduce_sum3A [1] : vector<256x4096xf32> to vector<256xf32>
    %swap3A = arith.constant 0 : index
    %swap3A_137 = arith.constant 0 : index
    %swap3A_138 = arith.constant 0 : index
    %swap3A_139 = arith.constant 0 : index
    %swap3A_140 = vector.load %arg19[%swap3A, %swap3A_137, %swap3A_138, %swap3A_139] : memref<1x1x256x10xf32, #tpu.memory_space<vmem>>, vector<1x1x256x1xf32>
    %swap3A_141 = vector.shape_cast %swap3A_140 : vector<1x1x256x1xf32> to vector<256xf32>
    %swap3A_142 = vector.shape_cast %reduce_sum3A_136 : vector<256xf32> to vector<1x1x256x1xf32>
    tpu.vector_store %arg19[%swap3A, %swap3A_137, %swap3A_138, %swap3A_139], %swap3A_142 {strides = array<i32>} : memref<1x1x256x10xf32, #tpu.memory_space<vmem>>, vector<1x1x256x1xf32>,
    %jit3A_143 = arith.constant 0.000000e+00 : f32
    %broadcast_in_dim3A_144 = vector.broadcast %jit3A_143 : f32 to vector<256x4096xf32>
    %select_n3A_145 = arith.select %eq3A_132, %add3A_94, %broadcast_in_dim3A_144 : vector<256x4096xi1>, vector<256x4096xf32>
    %reduce_sum3A_146 = arith.constant dense<0.000000e+00> : vector<256xf32>
    %reduce_sum3A_147 = vector.multi_reduction <add>, %select_n3A_145, %reduce_sum3A_146 [1] : vector<256x4096xf32> to vector<256xf32>
    %swap3A_148 = arith.constant 0 : index
    %swap3A_149 = arith.constant 0 : index
    %swap3A_150 = arith.constant 0 : index
    %swap3A_151 = arith.constant 0 : index
    %swap3A_152 = vector.load %arg20[%swap3A_148, %swap3A_149, %swap3A_150, %swap3A_151] : memref<1x1x256x10xf32, #tpu.memory_space<vmem>>, vector<1x1x256x1xf32>
    %swap3A_153 = vector.shape_cast %swap3A_152 : vector<1x1x256x1xf32> to vector<256xf32>
    %swap3A_154 = vector.shape_cast %reduce_sum3A_147 : vector<256xf32> to vector<1x1x256x1xf32>
    tpu.vector_store %arg20[%swap3A_148, %swap3A_149, %swap3A_150, %swap3A_151], %swap3A_154 {strides = array<i32>} : memref<1x1x256x10xf32, #tpu.memory_space<vmem>>, vector<1x1x256x1xf32>,
    %neg3A_155 = arith.constant 0.000000e+00 : f32
    %neg3A_156 = arith.constant 3.400000e+38 : f32
    %neg3A_157 = arith.subf %neg3A_155, %neg3A_156 : f32
    %broadcast_in_dim3A_158 = vector.broadcast %neg3A_157 : f32 to vector<256x4096xf32>
    %select_n3A_159 = arith.select %eq3A_132, %broadcast_in_dim3A_158, %sub3A_125 : vector<256x4096xi1>, vector<256x4096xf32>
    %reduce_max3A_160 = arith.constant dense<0xFF800000> : vector<256xf32>
    %reduce_max3A_161 = vector.multi_reduction <maximumf>, %select_n3A_159, %reduce_max3A_160 [1] : vector<256x4096xf32> to vector<256xf32>
    %broadcast_in_dim3A_162 = vector.shape_cast %reduce_max3A_161 : vector<256xf32> to vector<256x1xf32>
    %eq3A_163 = vector.broadcast %broadcast_in_dim3A_162 : vector<256x1xf32> to vector<256x4096xf32>
    %eq3A_164 = arith.cmpf oeq, %select_n3A_159, %eq3A_163 : vector<256x4096xf32>
    %jit3A_165 = arith.constant 4.096000e+03 : f32
    %broadcast_in_dim3A_166 = vector.broadcast %jit3A_165 : f32 to vector<256x4096xf32>
    %select_n3A_167 = arith.select %eq3A_164, %convert_element_type3A, %broadcast_in_dim3A_166 : vector<256x4096xi1>, vector<256x4096xf32>
    %reduce_min3A_168 = arith.constant dense<0x7F800000> : vector<256xf32>
    %reduce_min3A_169 = vector.multi_reduction <minimumf>, %select_n3A_167, %reduce_min3A_168 [1] : vector<256x4096xf32> to vector<256xf32>
    %broadcast_in_dim3A_170 = vector.shape_cast %reduce_min3A_169 : vector<256xf32> to vector<256x1xf32>
    %eq3A_171 = vector.broadcast %broadcast_in_dim3A_170 : vector<256x1xf32> to vector<256x4096xf32>
    %eq3A_172 = arith.cmpf oeq, %convert_element_type3A, %eq3A_171 : vector<256x4096xf32>
    %jit3A_173 = arith.constant 0.000000e+00 : f32
    %broadcast_in_dim3A_174 = vector.broadcast %jit3A_173 : f32 to vector<256x4096xf32>
    %select_n3A_175 = arith.select %eq3A_172, %add3A_105, %broadcast_in_dim3A_174 : vector<256x4096xi1>, vector<256x4096xf32>
    %reduce_sum3A_176 = arith.constant dense<0.000000e+00> : vector<256xf32>
    %reduce_sum3A_177 = vector.multi_reduction <add>, %select_n3A_175, %reduce_sum3A_176 [1] : vector<256x4096xf32> to vector<256xf32>
    %swap3A_178 = arith.constant 0 : index
    %swap3A_179 = arith.constant 0 : index
    %swap3A_180 = arith.constant 0 : index
    %swap3A_181 = arith.constant 1 : index
    %swap3A_182 = vector.load %arg19[%swap3A_178, %swap3A_179, %swap3A_180, %swap3A_181] : memref<1x1x256x10xf32, #tpu.memory_space<vmem>>, vector<1x1x256x1xf32>
    %swap3A_183 = vector.shape_cast %swap3A_182 : vector<1x1x256x1xf32> to vector<256xf32>
    %swap3A_184 = vector.shape_cast %reduce_sum3A_177 : vector<256xf32> to vector<1x1x256x1xf32>
    tpu.vector_store %arg19[%swap3A_178, %swap3A_179, %swap3A_180, %swap3A_181], %swap3A_184 {strides = array<i32>} : memref<1x1x256x10xf32, #tpu.memory_space<vmem>>, vector<1x1x256x1xf32>,
    %jit3A_185 = arith.constant 0.000000e+00 : f32
    %broadcast_in_dim3A_186 = vector.broadcast %jit3A_185 : f32 to vector<256x4096xf32>
    %select_n3A_187 = arith.select %eq3A_172, %add3A_94, %broadcast_in_dim3A_186 : vector<256x4096xi1>, vector<256x4096xf32>
    %reduce_sum3A_188 = arith.constant dense<0.000000e+00> : vector<256xf32>
    %reduce_sum3A_189 = vector.multi_reduction <add>, %select_n3A_187, %reduce_sum3A_188 [1] : vector<256x4096xf32> to vector<256xf32>
    %swap3A_190 = arith.constant 0 : index
    %swap3A_191 = arith.constant 0 : index
    %swap3A_192 = arith.constant 0 : index
    %swap3A_193 = arith.constant 1 : index
    %swap3A_194 = vector.load %arg20[%swap3A_190, %swap3A_191, %swap3A_192, %swap3A_193] : memref<1x1x256x10xf32, #tpu.memory_space<vmem>>, vector<1x1x256x1xf32>
    %swap3A_195 = vector.shape_cast %swap3A_194 : vector<1x1x256x1xf32> to vector<256xf32>
    %swap3A_196 = vector.shape_cast %reduce_sum3A_189 : vector<256xf32> to vector<1x1x256x1xf32>
    tpu.vector_store %arg20[%swap3A_190, %swap3A_191, %swap3A_192, %swap3A_193], %swap3A_196 {strides = array<i32>} : memref<1x1x256x10xf32, #tpu.memory_space<vmem>>, vector<1x1x256x1xf32>,
    %neg3A_197 = arith.constant 0.000000e+00 : f32
    %neg3A_198 = arith.constant 3.400000e+38 : f32
    %neg3A_199 = arith.subf %neg3A_197, %neg3A_198 : f32
    %broadcast_in_dim3A_200 = vector.broadcast %neg3A_199 : f32 to vector<256x4096xf32>
    %select_n3A_201 = arith.select %eq3A_172, %broadcast_in_dim3A_200, %select_n3A_159 : vector<256x4096xi1>, vector<256x4096xf32>
    %reduce_max3A_202 = arith.constant dense<0xFF800000> : vector<256xf32>
    %reduce_max3A_203 = vector.multi_reduction <maximumf>, %select_n3A_201, %reduce_max3A_202 [1] : vector<256x4096xf32> to vector<256xf32>
    %broadcast_in_dim3A_204 = vector.shape_cast %reduce_max3A_203 : vector<256xf32> to vector<256x1xf32>
    %eq3A_205 = vector.broadcast %broadcast_in_dim3A_204 : vector<256x1xf32> to vector<256x4096xf32>
    %eq3A_206 = arith.cmpf oeq, %select_n3A_201, %eq3A_205 : vector<256x4096xf32>
    %jit3A_207 = arith.constant 4.096000e+03 : f32
    %broadcast_in_dim3A_208 = vector.broadcast %jit3A_207 : f32 to vector<256x4096xf32>
    %select_n3A_209 = arith.select %eq3A_206, %convert_element_type3A, %broadcast_in_dim3A_208 : vector<256x4096xi1>, vector<256x4096xf32>
    %reduce_min3A_210 = arith.constant dense<0x7F800000> : vector<256xf32>
    %reduce_min3A_211 = vector.multi_reduction <minimumf>, %select_n3A_209, %reduce_min3A_210 [1] : vector<256x4096xf32> to vector<256xf32>
    %broadcast_in_dim3A_212 = vector.shape_cast %reduce_min3A_211 : vector<256xf32> to vector<256x1xf32>
    %eq3A_213 = vector.broadcast %broadcast_in_dim3A_212 : vector<256x1xf32> to vector<256x4096xf32>
    %eq3A_214 = arith.cmpf oeq, %convert_element_type3A, %eq3A_213 : vector<256x4096xf32>
    %jit3A_215 = arith.constant 0.000000e+00 : f32
    %broadcast_in_dim3A_216 = vector.broadcast %jit3A_215 : f32 to vector<256x4096xf32>
    %select_n3A_217 = arith.select %eq3A_214, %add3A_105, %broadcast_in_dim3A_216 : vector<256x4096xi1>, vector<256x4096xf32>
    %reduce_sum3A_218 = arith.constant dense<0.000000e+00> : vector<256xf32>
    %reduce_sum3A_219 = vector.multi_reduction <add>, %select_n3A_217, %reduce_sum3A_218 [1] : vector<256x4096xf32> to vector<256xf32>
    %swap3A_220 = arith.constant 0 : index
    %swap3A_221 = arith.constant 0 : index
    %swap3A_222 = arith.constant 0 : index
    %swap3A_223 = arith.constant 2 : index
    %swap3A_224 = vector.load %arg19[%swap3A_220, %swap3A_221, %swap3A_222, %swap3A_223] : memref<1x1x256x10xf32, #tpu.memory_space<vmem>>, vector<1x1x256x1xf32>
    %swap3A_225 = vector.shape_cast %swap3A_224 : vector<1x1x256x1xf32> to vector<256xf32>
    %swap3A_226 = vector.shape_cast %reduce_sum3A_219 : vector<256xf32> to vector<1x1x256x1xf32>
    tpu.vector_store %arg19[%swap3A_220, %swap3A_221, %swap3A_222, %swap3A_223], %swap3A_226 {strides = array<i32>} : memref<1x1x256x10xf32, #tpu.memory_space<vmem>>, vector<1x1x256x1xf32>,
    %jit3A_227 = arith.constant 0.000000e+00 : f32
    %broadcast_in_dim3A_228 = vector.broadcast %jit3A_227 : f32 to vector<256x4096xf32>
    %select_n3A_229 = arith.select %eq3A_214, %add3A_94, %broadcast_in_dim3A_228 : vector<256x4096xi1>, vector<256x4096xf32>
    %reduce_sum3A_230 = arith.constant dense<0.000000e+00> : vector<256xf32>
    %reduce_sum3A_231 = vector.multi_reduction <add>, %select_n3A_229, %reduce_sum3A_230 [1] : vector<256x4096xf32> to vector<256xf32>
    %swap3A_232 = arith.constant 0 : index
    %swap3A_233 = arith.constant 0 : index
    %swap3A_234 = arith.constant 0 : index
    %swap3A_235 = arith.constant 2 : index
    %swap3A_236 = vector.load %arg20[%swap3A_232, %swap3A_233, %swap3A_234, %swap3A_235] : memref<1x1x256x10xf32, #tpu.memory_space<vmem>>, vector<1x1x256x1xf32>
    %swap3A_237 = vector.shape_cast %swap3A_236 : vector<1x1x256x1xf32> to vector<256xf32>
    %swap3A_238 = vector.shape_cast %reduce_sum3A_231 : vector<256xf32> to vector<1x1x256x1xf32>
    tpu.vector_store %arg20[%swap3A_232, %swap3A_233, %swap3A_234, %swap3A_235], %swap3A_238 {strides = array<i32>} : memref<1x1x256x10xf32, #tpu.memory_space<vmem>>, vector<1x1x256x1xf32>,
    %neg3A_239 = arith.constant 0.000000e+00 : f32
    %neg3A_240 = arith.constant 3.400000e+38 : f32
    %neg3A_241 = arith.subf %neg3A_239, %neg3A_240 : f32
    %broadcast_in_dim3A_242 = vector.broadcast %neg3A_241 : f32 to vector<256x4096xf32>
    %select_n3A_243 = arith.select %eq3A_214, %broadcast_in_dim3A_242, %select_n3A_201 : vector<256x4096xi1>, vector<256x4096xf32>
    %reduce_max3A_244 = arith.constant dense<0xFF800000> : vector<256xf32>
    %reduce_max3A_245 = vector.multi_reduction <maximumf>, %select_n3A_243, %reduce_max3A_244 [1] : vector<256x4096xf32> to vector<256xf32>
    %broadcast_in_dim3A_246 = vector.shape_cast %reduce_max3A_245 : vector<256xf32> to vector<256x1xf32>
    %eq3A_247 = vector.broadcast %broadcast_in_dim3A_246 : vector<256x1xf32> to vector<256x4096xf32>
    %eq3A_248 = arith.cmpf oeq, %select_n3A_243, %eq3A_247 : vector<256x4096xf32>
    %jit3A_249 = arith.constant 4.096000e+03 : f32
    %broadcast_in_dim3A_250 = vector.broadcast %jit3A_249 : f32 to vector<256x4096xf32>
    %select_n3A_251 = arith.select %eq3A_248, %convert_element_type3A, %broadcast_in_dim3A_250 : vector<256x4096xi1>, vector<256x4096xf32>
    %reduce_min3A_252 = arith.constant dense<0x7F800000> : vector<256xf32>
    %reduce_min3A_253 = vector.multi_reduction <minimumf>, %select_n3A_251, %reduce_min3A_252 [1] : vector<256x4096xf32> to vector<256xf32>
    %broadcast_in_dim3A_254 = vector.shape_cast %reduce_min3A_253 : vector<256xf32> to vector<256x1xf32>
    %eq3A_255 = vector.broadcast %broadcast_in_dim3A_254 : vector<256x1xf32> to vector<256x4096xf32>
    %eq3A_256 = arith.cmpf oeq, %convert_element_type3A, %eq3A_255 : vector<256x4096xf32>
    %jit3A_257 = arith.constant 0.000000e+00 : f32
    %broadcast_in_dim3A_258 = vector.broadcast %jit3A_257 : f32 to vector<256x4096xf32>
    %select_n3A_259 = arith.select %eq3A_256, %add3A_105, %broadcast_in_dim3A_258 : vector<256x4096xi1>, vector<256x4096xf32>
    %reduce_sum3A_260 = arith.constant dense<0.000000e+00> : vector<256xf32>
    %reduce_sum3A_261 = vector.multi_reduction <add>, %select_n3A_259, %reduce_sum3A_260 [1] : vector<256x4096xf32> to vector<256xf32>
    %swap3A_262 = arith.constant 0 : index
    %swap3A_263 = arith.constant 0 : index
    %swap3A_264 = arith.constant 0 : index
    %swap3A_265 = arith.constant 3 : index
    %swap3A_266 = vector.load %arg19[%swap3A_262, %swap3A_263, %swap3A_264, %swap3A_265] : memref<1x1x256x10xf32, #tpu.memory_space<vmem>>, vector<1x1x256x1xf32>
    %swap3A_267 = vector.shape_cast %swap3A_266 : vector<1x1x256x1xf32> to vector<256xf32>
    %swap3A_268 = vector.shape_cast %reduce_sum3A_261 : vector<256xf32> to vector<1x1x256x1xf32>
    tpu.vector_store %arg19[%swap3A_262, %swap3A_263, %swap3A_264, %swap3A_265], %swap3A_268 {strides = array<i32>} : memref<1x1x256x10xf32, #tpu.memory_space<vmem>>, vector<1x1x256x1xf32>,
    %jit3A_269 = arith.constant 0.000000e+00 : f32
    %broadcast_in_dim3A_270 = vector.broadcast %jit3A_269 : f32 to vector<256x4096xf32>
    %select_n3A_271 = arith.select %eq3A_256, %add3A_94, %broadcast_in_dim3A_270 : vector<256x4096xi1>, vector<256x4096xf32>
    %reduce_sum3A_272 = arith.constant dense<0.000000e+00> : vector<256xf32>
    %reduce_sum3A_273 = vector.multi_reduction <add>, %select_n3A_271, %reduce_sum3A_272 [1] : vector<256x4096xf32> to vector<256xf32>
    %swap3A_274 = arith.constant 0 : index
    %swap3A_275 = arith.constant 0 : index
    %swap3A_276 = arith.constant 0 : index
    %swap3A_277 = arith.constant 3 : index
    %swap3A_278 = vector.load %arg20[%swap3A_274, %swap3A_275, %swap3A_276, %swap3A_277] : memref<1x1x256x10xf32, #tpu.memory_space<vmem>>, vector<1x1x256x1xf32>
    %swap3A_279 = vector.shape_cast %swap3A_278 : vector<1x1x256x1xf32> to vector<256xf32>
    %swap3A_280 = vector.shape_cast %reduce_sum3A_273 : vector<256xf32> to vector<1x1x256x1xf32>
    tpu.vector_store %arg20[%swap3A_274, %swap3A_275, %swap3A_276, %swap3A_277], %swap3A_280 {strides = array<i32>} : memref<1x1x256x10xf32, #tpu.memory_space<vmem>>, vector<1x1x256x1xf32>,
    %neg3A_281 = arith.constant 0.000000e+00 : f32
    %neg3A_282 = arith.constant 3.400000e+38 : f32
    %neg3A_283 = arith.subf %neg3A_281, %neg3A_282 : f32
    %broadcast_in_dim3A_284 = vector.broadcast %neg3A_283 : f32 to vector<256x4096xf32>
    %select_n3A_285 = arith.select %eq3A_256, %broadcast_in_dim3A_284, %select_n3A_243 : vector<256x4096xi1>, vector<256x4096xf32>
    %reduce_max3A_286 = arith.constant dense<0xFF800000> : vector<256xf32>
    %reduce_max3A_287 = vector.multi_reduction <maximumf>, %select_n3A_285, %reduce_max3A_286 [1] : vector<256x4096xf32> to vector<256xf32>
    %broadcast_in_dim3A_288 = vector.shape_cast %reduce_max3A_287 : vector<256xf32> to vector<256x1xf32>
    %eq3A_289 = vector.broadcast %broadcast_in_dim3A_288 : vector<256x1xf32> to vector<256x4096xf32>
    %eq3A_290 = arith.cmpf oeq, %select_n3A_285, %eq3A_289 : vector<256x4096xf32>
    %jit3A_291 = arith.constant 4.096000e+03 : f32
    %broadcast_in_dim3A_292 = vector.broadcast %jit3A_291 : f32 to vector<256x4096xf32>
    %select_n3A_293 = arith.select %eq3A_290, %convert_element_type3A, %broadcast_in_dim3A_292 : vector<256x4096xi1>, vector<256x4096xf32>
    %reduce_min3A_294 = arith.constant dense<0x7F800000> : vector<256xf32>
    %reduce_min3A_295 = vector.multi_reduction <minimumf>, %select_n3A_293, %reduce_min3A_294 [1] : vector<256x4096xf32> to vector<256xf32>
    %broadcast_in_dim3A_296 = vector.shape_cast %reduce_min3A_295 : vector<256xf32> to vector<256x1xf32>
    %eq3A_297 = vector.broadcast %broadcast_in_dim3A_296 : vector<256x1xf32> to vector<256x4096xf32>
    %eq3A_298 = arith.cmpf oeq, %convert_element_type3A, %eq3A_297 : vector<256x4096xf32>
    %jit3A_299 = arith.constant 0.000000e+00 : f32
    %broadcast_in_dim3A_300 = vector.broadcast %jit3A_299 : f32 to vector<256x4096xf32>
    %select_n3A_301 = arith.select %eq3A_298, %add3A_105, %broadcast_in_dim3A_300 : vector<256x4096xi1>, vector<256x4096xf32>
    %reduce_sum3A_302 = arith.constant dense<0.000000e+00> : vector<256xf32>
    %reduce_sum3A_303 = vector.multi_reduction <add>, %select_n3A_301, %reduce_sum3A_302 [1] : vector<256x4096xf32> to vector<256xf32>
    %swap3A_304 = arith.constant 0 : index
    %swap3A_305 = arith.constant 0 : index
    %swap3A_306 = arith.constant 0 : index
    %swap3A_307 = arith.constant 4 : index
    %swap3A_308 = vector.load %arg19[%swap3A_304, %swap3A_305, %swap3A_306, %swap3A_307] : memref<1x1x256x10xf32, #tpu.memory_space<vmem>>, vector<1x1x256x1xf32>
    %swap3A_309 = vector.shape_cast %swap3A_308 : vector<1x1x256x1xf32> to vector<256xf32>
    %swap3A_310 = vector.shape_cast %reduce_sum3A_303 : vector<256xf32> to vector<1x1x256x1xf32>
    tpu.vector_store %arg19[%swap3A_304, %swap3A_305, %swap3A_306, %swap3A_307], %swap3A_310 {strides = array<i32>} : memref<1x1x256x10xf32, #tpu.memory_space<vmem>>, vector<1x1x256x1xf32>,
    %jit3A_311 = arith.constant 0.000000e+00 : f32
    %broadcast_in_dim3A_312 = vector.broadcast %jit3A_311 : f32 to vector<256x4096xf32>
    %select_n3A_313 = arith.select %eq3A_298, %add3A_94, %broadcast_in_dim3A_312 : vector<256x4096xi1>, vector<256x4096xf32>
    %reduce_sum3A_314 = arith.constant dense<0.000000e+00> : vector<256xf32>
    %reduce_sum3A_315 = vector.multi_reduction <add>, %select_n3A_313, %reduce_sum3A_314 [1] : vector<256x4096xf32> to vector<256xf32>
    %swap3A_316 = arith.constant 0 : index
    %swap3A_317 = arith.constant 0 : index
    %swap3A_318 = arith.constant 0 : index
    %swap3A_319 = arith.constant 4 : index
    %swap3A_320 = vector.load %arg20[%swap3A_316, %swap3A_317, %swap3A_318, %swap3A_319] : memref<1x1x256x10xf32, #tpu.memory_space<vmem>>, vector<1x1x256x1xf32>
    %swap3A_321 = vector.shape_cast %swap3A_320 : vector<1x1x256x1xf32> to vector<256xf32>
    %swap3A_322 = vector.shape_cast %reduce_sum3A_315 : vector<256xf32> to vector<1x1x256x1xf32>
    tpu.vector_store %arg20[%swap3A_316, %swap3A_317, %swap3A_318, %swap3A_319], %swap3A_322 {strides = array<i32>} : memref<1x1x256x10xf32, #tpu.memory_space<vmem>>, vector<1x1x256x1xf32>,
    %neg3A_323 = arith.constant 0.000000e+00 : f32
    %neg3A_324 = arith.constant 3.400000e+38 : f32
    %neg3A_325 = arith.subf %neg3A_323, %neg3A_324 : f32
    %broadcast_in_dim3A_326 = vector.broadcast %neg3A_325 : f32 to vector<256x4096xf32>
    %select_n3A_327 = arith.select %eq3A_298, %broadcast_in_dim3A_326, %select_n3A_285 : vector<256x4096xi1>, vector<256x4096xf32>
    %reduce_max3A_328 = arith.constant dense<0xFF800000> : vector<256xf32>
    %reduce_max3A_329 = vector.multi_reduction <maximumf>, %select_n3A_327, %reduce_max3A_328 [1] : vector<256x4096xf32> to vector<256xf32>
    %broadcast_in_dim3A_330 = vector.shape_cast %reduce_max3A_329 : vector<256xf32> to vector<256x1xf32>
    %eq3A_331 = vector.broadcast %broadcast_in_dim3A_330 : vector<256x1xf32> to vector<256x4096xf32>
    %eq3A_332 = arith.cmpf oeq, %select_n3A_327, %eq3A_331 : vector<256x4096xf32>
    %jit3A_333 = arith.constant 4.096000e+03 : f32
    %broadcast_in_dim3A_334 = vector.broadcast %jit3A_333 : f32 to vector<256x4096xf32>
    %select_n3A_335 = arith.select %eq3A_332, %convert_element_type3A, %broadcast_in_dim3A_334 : vector<256x4096xi1>, vector<256x4096xf32>
    %reduce_min3A_336 = arith.constant dense<0x7F800000> : vector<256xf32>
    %reduce_min3A_337 = vector.multi_reduction <minimumf>, %select_n3A_335, %reduce_min3A_336 [1] : vector<256x4096xf32> to vector<256xf32>
    %broadcast_in_dim3A_338 = vector.shape_cast %reduce_min3A_337 : vector<256xf32> to vector<256x1xf32>
    %eq3A_339 = vector.broadcast %broadcast_in_dim3A_338 : vector<256x1xf32> to vector<256x4096xf32>
    %eq3A_340 = arith.cmpf oeq, %convert_element_type3A, %eq3A_339 : vector<256x4096xf32>
    %jit3A_341 = arith.constant 0.000000e+00 : f32
    %broadcast_in_dim3A_342 = vector.broadcast %jit3A_341 : f32 to vector<256x4096xf32>
    %select_n3A_343 = arith.select %eq3A_340, %add3A_105, %broadcast_in_dim3A_342 : vector<256x4096xi1>, vector<256x4096xf32>
    %reduce_sum3A_344 = arith.constant dense<0.000000e+00> : vector<256xf32>
    %reduce_sum3A_345 = vector.multi_reduction <add>, %select_n3A_343, %reduce_sum3A_344 [1] : vector<256x4096xf32> to vector<256xf32>
    %swap3A_346 = arith.constant 0 : index
    %swap3A_347 = arith.constant 0 : index
    %swap3A_348 = arith.constant 0 : index
    %swap3A_349 = arith.constant 5 : index
    %swap3A_350 = vector.load %arg19[%swap3A_346, %swap3A_347, %swap3A_348, %swap3A_349] : memref<1x1x256x10xf32, #tpu.memory_space<vmem>>, vector<1x1x256x1xf32>
    %swap3A_351 = vector.shape_cast %swap3A_350 : vector<1x1x256x1xf32> to vector<256xf32>
    %swap3A_352 = vector.shape_cast %reduce_sum3A_345 : vector<256xf32> to vector<1x1x256x1xf32>
    tpu.vector_store %arg19[%swap3A_346, %swap3A_347, %swap3A_348, %swap3A_349], %swap3A_352 {strides = array<i32>} : memref<1x1x256x10xf32, #tpu.memory_space<vmem>>, vector<1x1x256x1xf32>,
    %jit3A_353 = arith.constant 0.000000e+00 : f32
    %broadcast_in_dim3A_354 = vector.broadcast %jit3A_353 : f32 to vector<256x4096xf32>
    %select_n3A_355 = arith.select %eq3A_340, %add3A_94, %broadcast_in_dim3A_354 : vector<256x4096xi1>, vector<256x4096xf32>
    %reduce_sum3A_356 = arith.constant dense<0.000000e+00> : vector<256xf32>
    %reduce_sum3A_357 = vector.multi_reduction <add>, %select_n3A_355, %reduce_sum3A_356 [1] : vector<256x4096xf32> to vector<256xf32>
    %swap3A_358 = arith.constant 0 : index
    %swap3A_359 = arith.constant 0 : index
    %swap3A_360 = arith.constant 0 : index
    %swap3A_361 = arith.constant 5 : index
    %swap3A_362 = vector.load %arg20[%swap3A_358, %swap3A_359, %swap3A_360, %swap3A_361] : memref<1x1x256x10xf32, #tpu.memory_space<vmem>>, vector<1x1x256x1xf32>
    %swap3A_363 = vector.shape_cast %swap3A_362 : vector<1x1x256x1xf32> to vector<256xf32>
    %swap3A_364 = vector.shape_cast %reduce_sum3A_357 : vector<256xf32> to vector<1x1x256x1xf32>
    tpu.vector_store %arg20[%swap3A_358, %swap3A_359, %swap3A_360, %swap3A_361], %swap3A_364 {strides = array<i32>} : memref<1x1x256x10xf32, #tpu.memory_space<vmem>>, vector<1x1x256x1xf32>,
    %neg3A_365 = arith.constant 0.000000e+00 : f32
    %neg3A_366 = arith.constant 3.400000e+38 : f32
    %neg3A_367 = arith.subf %neg3A_365, %neg3A_366 : f32
    %broadcast_in_dim3A_368 = vector.broadcast %neg3A_367 : f32 to vector<256x4096xf32>
    %select_n3A_369 = arith.select %eq3A_340, %broadcast_in_dim3A_368, %select_n3A_327 : vector<256x4096xi1>, vector<256x4096xf32>
    %reduce_max3A_370 = arith.constant dense<0xFF800000> : vector<256xf32>
    %reduce_max3A_371 = vector.multi_reduction <maximumf>, %select_n3A_369, %reduce_max3A_370 [1] : vector<256x4096xf32> to vector<256xf32>
    %broadcast_in_dim3A_372 = vector.shape_cast %reduce_max3A_371 : vector<256xf32> to vector<256x1xf32>
    %eq3A_373 = vector.broadcast %broadcast_in_dim3A_372 : vector<256x1xf32> to vector<256x4096xf32>
    %eq3A_374 = arith.cmpf oeq, %select_n3A_369, %eq3A_373 : vector<256x4096xf32>
    %jit3A_375 = arith.constant 4.096000e+03 : f32
    %broadcast_in_dim3A_376 = vector.broadcast %jit3A_375 : f32 to vector<256x4096xf32>
    %select_n3A_377 = arith.select %eq3A_374, %convert_element_type3A, %broadcast_in_dim3A_376 : vector<256x4096xi1>, vector<256x4096xf32>
    %reduce_min3A_378 = arith.constant dense<0x7F800000> : vector<256xf32>
    %reduce_min3A_379 = vector.multi_reduction <minimumf>, %select_n3A_377, %reduce_min3A_378 [1] : vector<256x4096xf32> to vector<256xf32>
    %broadcast_in_dim3A_380 = vector.shape_cast %reduce_min3A_379 : vector<256xf32> to vector<256x1xf32>
    %eq3A_381 = vector.broadcast %broadcast_in_dim3A_380 : vector<256x1xf32> to vector<256x4096xf32>
    %eq3A_382 = arith.cmpf oeq, %convert_element_type3A, %eq3A_381 : vector<256x4096xf32>
    %jit3A_383 = arith.constant 0.000000e+00 : f32
    %broadcast_in_dim3A_384 = vector.broadcast %jit3A_383 : f32 to vector<256x4096xf32>
    %select_n3A_385 = arith.select %eq3A_382, %add3A_105, %broadcast_in_dim3A_384 : vector<256x4096xi1>, vector<256x4096xf32>
    %reduce_sum3A_386 = arith.constant dense<0.000000e+00> : vector<256xf32>
    %reduce_sum3A_387 = vector.multi_reduction <add>, %select_n3A_385, %reduce_sum3A_386 [1] : vector<256x4096xf32> to vector<256xf32>
    %swap3A_388 = arith.constant 0 : index
    %swap3A_389 = arith.constant 0 : index
    %swap3A_390 = arith.constant 0 : index
    %swap3A_391 = arith.constant 6 : index
    %swap3A_392 = vector.load %arg19[%swap3A_388, %swap3A_389, %swap3A_390, %swap3A_391] : memref<1x1x256x10xf32, #tpu.memory_space<vmem>>, vector<1x1x256x1xf32>
    %swap3A_393 = vector.shape_cast %swap3A_392 : vector<1x1x256x1xf32> to vector<256xf32>
    %swap3A_394 = vector.shape_cast %reduce_sum3A_387 : vector<256xf32> to vector<1x1x256x1xf32>
    tpu.vector_store %arg19[%swap3A_388, %swap3A_389, %swap3A_390, %swap3A_391], %swap3A_394 {strides = array<i32>} : memref<1x1x256x10xf32, #tpu.memory_space<vmem>>, vector<1x1x256x1xf32>,
    %jit3A_395 = arith.constant 0.000000e+00 : f32
    %broadcast_in_dim3A_396 = vector.broadcast %jit3A_395 : f32 to vector<256x4096xf32>
    %select_n3A_397 = arith.select %eq3A_382, %add3A_94, %broadcast_in_dim3A_396 : vector<256x4096xi1>, vector<256x4096xf32>
    %reduce_sum3A_398 = arith.constant dense<0.000000e+00> : vector<256xf32>
    %reduce_sum3A_399 = vector.multi_reduction <add>, %select_n3A_397, %reduce_sum3A_398 [1] : vector<256x4096xf32> to vector<256xf32>
    %swap3A_400 = arith.constant 0 : index
    %swap3A_401 = arith.constant 0 : index
    %swap3A_402 = arith.constant 0 : index
    %swap3A_403 = arith.constant 6 : index
    %swap3A_404 = vector.load %arg20[%swap3A_400, %swap3A_401, %swap3A_402, %swap3A_403] : memref<1x1x256x10xf32, #tpu.memory_space<vmem>>, vector<1x1x256x1xf32>
    %swap3A_405 = vector.shape_cast %swap3A_404 : vector<1x1x256x1xf32> to vector<256xf32>
    %swap3A_406 = vector.shape_cast %reduce_sum3A_399 : vector<256xf32> to vector<1x1x256x1xf32>
    tpu.vector_store %arg20[%swap3A_400, %swap3A_401, %swap3A_402, %swap3A_403], %swap3A_406 {strides = array<i32>} : memref<1x1x256x10xf32, #tpu.memory_space<vmem>>, vector<1x1x256x1xf32>,
    %neg3A_407 = arith.constant 0.000000e+00 : f32
    %neg3A_408 = arith.constant 3.400000e+38 : f32
    %neg3A_409 = arith.subf %neg3A_407, %neg3A_408 : f32
    %broadcast_in_dim3A_410 = vector.broadcast %neg3A_409 : f32 to vector<256x4096xf32>
    %select_n3A_411 = arith.select %eq3A_382, %broadcast_in_dim3A_410, %select_n3A_369 : vector<256x4096xi1>, vector<256x4096xf32>
    %reduce_max3A_412 = arith.constant dense<0xFF800000> : vector<256xf32>
    %reduce_max3A_413 = vector.multi_reduction <maximumf>, %select_n3A_411, %reduce_max3A_412 [1] : vector<256x4096xf32> to vector<256xf32>
    %broadcast_in_dim3A_414 = vector.shape_cast %reduce_max3A_413 : vector<256xf32> to vector<256x1xf32>
    %eq3A_415 = vector.broadcast %broadcast_in_dim3A_414 : vector<256x1xf32> to vector<256x4096xf32>
    %eq3A_416 = arith.cmpf oeq, %select_n3A_411, %eq3A_415 : vector<256x4096xf32>
    %jit3A_417 = arith.constant 4.096000e+03 : f32
    %broadcast_in_dim3A_418 = vector.broadcast %jit3A_417 : f32 to vector<256x4096xf32>
    %select_n3A_419 = arith.select %eq3A_416, %convert_element_type3A, %broadcast_in_dim3A_418 : vector<256x4096xi1>, vector<256x4096xf32>
    %reduce_min3A_420 = arith.constant dense<0x7F800000> : vector<256xf32>
    %reduce_min3A_421 = vector.multi_reduction <minimumf>, %select_n3A_419, %reduce_min3A_420 [1] : vector<256x4096xf32> to vector<256xf32>
    %broadcast_in_dim3A_422 = vector.shape_cast %reduce_min3A_421 : vector<256xf32> to vector<256x1xf32>
    %eq3A_423 = vector.broadcast %broadcast_in_dim3A_422 : vector<256x1xf32> to vector<256x4096xf32>
    %eq3A_424 = arith.cmpf oeq, %convert_element_type3A, %eq3A_423 : vector<256x4096xf32>
    %jit3A_425 = arith.constant 0.000000e+00 : f32
    %broadcast_in_dim3A_426 = vector.broadcast %jit3A_425 : f32 to vector<256x4096xf32>
    %select_n3A_427 = arith.select %eq3A_424, %add3A_105, %broadcast_in_dim3A_426 : vector<256x4096xi1>, vector<256x4096xf32>
    %reduce_sum3A_428 = arith.constant dense<0.000000e+00> : vector<256xf32>
    %reduce_sum3A_429 = vector.multi_reduction <add>, %select_n3A_427, %reduce_sum3A_428 [1] : vector<256x4096xf32> to vector<256xf32>
    %swap3A_430 = arith.constant 0 : index
    %swap3A_431 = arith.constant 0 : index
    %swap3A_432 = arith.constant 0 : index
    %swap3A_433 = arith.constant 7 : index
    %swap3A_434 = vector.load %arg19[%swap3A_430, %swap3A_431, %swap3A_432, %swap3A_433] : memref<1x1x256x10xf32, #tpu.memory_space<vmem>>, vector<1x1x256x1xf32>
    %swap3A_435 = vector.shape_cast %swap3A_434 : vector<1x1x256x1xf32> to vector<256xf32>
    %swap3A_436 = vector.shape_cast %reduce_sum3A_429 : vector<256xf32> to vector<1x1x256x1xf32>
    tpu.vector_store %arg19[%swap3A_430, %swap3A_431, %swap3A_432, %swap3A_433], %swap3A_436 {strides = array<i32>} : memref<1x1x256x10xf32, #tpu.memory_space<vmem>>, vector<1x1x256x1xf32>,
    %jit3A_437 = arith.constant 0.000000e+00 : f32
    %broadcast_in_dim3A_438 = vector.broadcast %jit3A_437 : f32 to vector<256x4096xf32>
    %select_n3A_439 = arith.select %eq3A_424, %add3A_94, %broadcast_in_dim3A_438 : vector<256x4096xi1>, vector<256x4096xf32>
    %reduce_sum3A_440 = arith.constant dense<0.000000e+00> : vector<256xf32>
    %reduce_sum3A_441 = vector.multi_reduction <add>, %select_n3A_439, %reduce_sum3A_440 [1] : vector<256x4096xf32> to vector<256xf32>
    %swap3A_442 = arith.constant 0 : index
    %swap3A_443 = arith.constant 0 : index
    %swap3A_444 = arith.constant 0 : index
    %swap3A_445 = arith.constant 7 : index
    %swap3A_446 = vector.load %arg20[%swap3A_442, %swap3A_443, %swap3A_444, %swap3A_445] : memref<1x1x256x10xf32, #tpu.memory_space<vmem>>, vector<1x1x256x1xf32>
    %swap3A_447 = vector.shape_cast %swap3A_446 : vector<1x1x256x1xf32> to vector<256xf32>
    %swap3A_448 = vector.shape_cast %reduce_sum3A_441 : vector<256xf32> to vector<1x1x256x1xf32>
    tpu.vector_store %arg20[%swap3A_442, %swap3A_443, %swap3A_444, %swap3A_445], %swap3A_448 {strides = array<i32>} : memref<1x1x256x10xf32, #tpu.memory_space<vmem>>, vector<1x1x256x1xf32>,
    %neg3A_449 = arith.constant 0.000000e+00 : f32
    %neg3A_450 = arith.constant 3.400000e+38 : f32
    %neg3A_451 = arith.subf %neg3A_449, %neg3A_450 : f32
    %broadcast_in_dim3A_452 = vector.broadcast %neg3A_451 : f32 to vector<256x4096xf32>
    %select_n3A_453 = arith.select %eq3A_424, %broadcast_in_dim3A_452, %select_n3A_411 : vector<256x4096xi1>, vector<256x4096xf32>
    %reduce_max3A_454 = arith.constant dense<0xFF800000> : vector<256xf32>
    %reduce_max3A_455 = vector.multi_reduction <maximumf>, %select_n3A_453, %reduce_max3A_454 [1] : vector<256x4096xf32> to vector<256xf32>
    %broadcast_in_dim3A_456 = vector.shape_cast %reduce_max3A_455 : vector<256xf32> to vector<256x1xf32>
    %eq3A_457 = vector.broadcast %broadcast_in_dim3A_456 : vector<256x1xf32> to vector<256x4096xf32>
    %eq3A_458 = arith.cmpf oeq, %select_n3A_453, %eq3A_457 : vector<256x4096xf32>
    %jit3A_459 = arith.constant 4.096000e+03 : f32
    %broadcast_in_dim3A_460 = vector.broadcast %jit3A_459 : f32 to vector<256x4096xf32>
    %select_n3A_461 = arith.select %eq3A_458, %convert_element_type3A, %broadcast_in_dim3A_460 : vector<256x4096xi1>, vector<256x4096xf32>
    %reduce_min3A_462 = arith.constant dense<0x7F800000> : vector<256xf32>
    %reduce_min3A_463 = vector.multi_reduction <minimumf>, %select_n3A_461, %reduce_min3A_462 [1] : vector<256x4096xf32> to vector<256xf32>
    %broadcast_in_dim3A_464 = vector.shape_cast %reduce_min3A_463 : vector<256xf32> to vector<256x1xf32>
    %eq3A_465 = vector.broadcast %broadcast_in_dim3A_464 : vector<256x1xf32> to vector<256x4096xf32>
    %eq3A_466 = arith.cmpf oeq, %convert_element_type3A, %eq3A_465 : vector<256x4096xf32>
    %jit3A_467 = arith.constant 0.000000e+00 : f32
    %broadcast_in_dim3A_468 = vector.broadcast %jit3A_467 : f32 to vector<256x4096xf32>
    %select_n3A_469 = arith.select %eq3A_466, %add3A_105, %broadcast_in_dim3A_468 : vector<256x4096xi1>, vector<256x4096xf32>
    %reduce_sum3A_470 = arith.constant dense<0.000000e+00> : vector<256xf32>
    %reduce_sum3A_471 = vector.multi_reduction <add>, %select_n3A_469, %reduce_sum3A_470 [1] : vector<256x4096xf32> to vector<256xf32>
    %swap3A_472 = arith.constant 0 : index
    %swap3A_473 = arith.constant 0 : index
    %swap3A_474 = arith.constant 0 : index
    %swap3A_475 = arith.constant 8 : index
    %swap3A_476 = vector.load %arg19[%swap3A_472, %swap3A_473, %swap3A_474, %swap3A_475] : memref<1x1x256x10xf32, #tpu.memory_space<vmem>>, vector<1x1x256x1xf32>
    %swap3A_477 = vector.shape_cast %swap3A_476 : vector<1x1x256x1xf32> to vector<256xf32>
    %swap3A_478 = vector.shape_cast %reduce_sum3A_471 : vector<256xf32> to vector<1x1x256x1xf32>
    tpu.vector_store %arg19[%swap3A_472, %swap3A_473, %swap3A_474, %swap3A_475], %swap3A_478 {strides = array<i32>} : memref<1x1x256x10xf32, #tpu.memory_space<vmem>>, vector<1x1x256x1xf32>,
    %jit3A_479 = arith.constant 0.000000e+00 : f32
    %broadcast_in_dim3A_480 = vector.broadcast %jit3A_479 : f32 to vector<256x4096xf32>
    %select_n3A_481 = arith.select %eq3A_466, %add3A_94, %broadcast_in_dim3A_480 : vector<256x4096xi1>, vector<256x4096xf32>
    %reduce_sum3A_482 = arith.constant dense<0.000000e+00> : vector<256xf32>
    %reduce_sum3A_483 = vector.multi_reduction <add>, %select_n3A_481, %reduce_sum3A_482 [1] : vector<256x4096xf32> to vector<256xf32>
    %swap3A_484 = arith.constant 0 : index
    %swap3A_485 = arith.constant 0 : index
    %swap3A_486 = arith.constant 0 : index
    %swap3A_487 = arith.constant 8 : index
    %swap3A_488 = vector.load %arg20[%swap3A_484, %swap3A_485, %swap3A_486, %swap3A_487] : memref<1x1x256x10xf32, #tpu.memory_space<vmem>>, vector<1x1x256x1xf32>
    %swap3A_489 = vector.shape_cast %swap3A_488 : vector<1x1x256x1xf32> to vector<256xf32>
    %swap3A_490 = vector.shape_cast %reduce_sum3A_483 : vector<256xf32> to vector<1x1x256x1xf32>
    tpu.vector_store %arg20[%swap3A_484, %swap3A_485, %swap3A_486, %swap3A_487], %swap3A_490 {strides = array<i32>} : memref<1x1x256x10xf32, #tpu.memory_space<vmem>>, vector<1x1x256x1xf32>,
    %neg3A_491 = arith.constant 0.000000e+00 : f32
    %neg3A_492 = arith.constant 3.400000e+38 : f32
    %neg3A_493 = arith.subf %neg3A_491, %neg3A_492 : f32
    %broadcast_in_dim3A_494 = vector.broadcast %neg3A_493 : f32 to vector<256x4096xf32>
    %select_n3A_495 = arith.select %eq3A_466, %broadcast_in_dim3A_494, %select_n3A_453 : vector<256x4096xi1>, vector<256x4096xf32>
    %reduce_max3A_496 = arith.constant dense<0xFF800000> : vector<256xf32>
    %reduce_max3A_497 = vector.multi_reduction <maximumf>, %select_n3A_495, %reduce_max3A_496 [1] : vector<256x4096xf32> to vector<256xf32>
    %broadcast_in_dim3A_498 = vector.shape_cast %reduce_max3A_497 : vector<256xf32> to vector<256x1xf32>
    %eq3A_499 = vector.broadcast %broadcast_in_dim3A_498 : vector<256x1xf32> to vector<256x4096xf32>
    %eq3A_500 = arith.cmpf oeq, %select_n3A_495, %eq3A_499 : vector<256x4096xf32>
    %jit3A_501 = arith.constant 4.096000e+03 : f32
    %broadcast_in_dim3A_502 = vector.broadcast %jit3A_501 : f32 to vector<256x4096xf32>
    %select_n3A_503 = arith.select %eq3A_500, %convert_element_type3A, %broadcast_in_dim3A_502 : vector<256x4096xi1>, vector<256x4096xf32>
    %reduce_min3A_504 = arith.constant dense<0x7F800000> : vector<256xf32>
    %reduce_min3A_505 = vector.multi_reduction <minimumf>, %select_n3A_503, %reduce_min3A_504 [1] : vector<256x4096xf32> to vector<256xf32>
    %broadcast_in_dim3A_506 = vector.shape_cast %reduce_min3A_505 : vector<256xf32> to vector<256x1xf32>
    %eq3A_507 = vector.broadcast %broadcast_in_dim3A_506 : vector<256x1xf32> to vector<256x4096xf32>
    %eq3A_508 = arith.cmpf oeq, %convert_element_type3A, %eq3A_507 : vector<256x4096xf32>
    %jit3A_509 = arith.constant 0.000000e+00 : f32
    %broadcast_in_dim3A_510 = vector.broadcast %jit3A_509 : f32 to vector<256x4096xf32>
    %select_n3A_511 = arith.select %eq3A_508, %add3A_105, %broadcast_in_dim3A_510 : vector<256x4096xi1>, vector<256x4096xf32>
    %reduce_sum3A_512 = arith.constant dense<0.000000e+00> : vector<256xf32>
    %reduce_sum3A_513 = vector.multi_reduction <add>, %select_n3A_511, %reduce_sum3A_512 [1] : vector<256x4096xf32> to vector<256xf32>
    %swap3A_514 = arith.constant 0 : index
    %swap3A_515 = arith.constant 0 : index
    %swap3A_516 = arith.constant 0 : index
    %swap3A_517 = arith.constant 9 : index
    %swap3A_518 = vector.load %arg19[%swap3A_514, %swap3A_515, %swap3A_516, %swap3A_517] : memref<1x1x256x10xf32, #tpu.memory_space<vmem>>, vector<1x1x256x1xf32>
    %swap3A_519 = vector.shape_cast %swap3A_518 : vector<1x1x256x1xf32> to vector<256xf32>
    %swap3A_520 = vector.shape_cast %reduce_sum3A_513 : vector<256xf32> to vector<1x1x256x1xf32>
    tpu.vector_store %arg19[%swap3A_514, %swap3A_515, %swap3A_516, %swap3A_517], %swap3A_520 {strides = array<i32>} : memref<1x1x256x10xf32, #tpu.memory_space<vmem>>, vector<1x1x256x1xf32>,
    %jit3A_521 = arith.constant 0.000000e+00 : f32
    %broadcast_in_dim3A_522 = vector.broadcast %jit3A_521 : f32 to vector<256x4096xf32>
    %select_n3A_523 = arith.select %eq3A_508, %add3A_94, %broadcast_in_dim3A_522 : vector<256x4096xi1>, vector<256x4096xf32>
    %reduce_sum3A_524 = arith.constant dense<0.000000e+00> : vector<256xf32>
    %reduce_sum3A_525 = vector.multi_reduction <add>, %select_n3A_523, %reduce_sum3A_524 [1] : vector<256x4096xf32> to vector<256xf32>
    %swap3A_526 = arith.constant 0 : index
    %swap3A_527 = arith.constant 0 : index
    %swap3A_528 = arith.constant 0 : index
    %swap3A_529 = arith.constant 9 : index
    %swap3A_530 = vector.load %arg20[%swap3A_526, %swap3A_527, %swap3A_528, %swap3A_529] : memref<1x1x256x10xf32, #tpu.memory_space<vmem>>, vector<1x1x256x1xf32>
    %swap3A_531 = vector.shape_cast %swap3A_530 : vector<1x1x256x1xf32> to vector<256xf32>
    %swap3A_532 = vector.shape_cast %reduce_sum3A_525 : vector<256xf32> to vector<1x1x256x1xf32>
    tpu.vector_store %arg20[%swap3A_526, %swap3A_527, %swap3A_528, %swap3A_529], %swap3A_532 {strides = array<i32>} : memref<1x1x256x10xf32, #tpu.memory_space<vmem>>, vector<1x1x256x1xf32>,
    return
  }
  func.func @transform_0(%arg0: i32, %arg1: i32) -> (i32, i32, i32) {
    %c0_i32 = arith.constant 0 : i32
    %c0_i32_0 = arith.constant 0 : i32
    %c0_i32_1 = arith.constant 0 : i32
    return %arg0, %c0_i32, %c0_i32_0 : i32, i32, i32
  }
  func.func @transform_1(%arg0: i32, %arg1: i32) -> (i32, i32, i32) {
    %c0_i32 = arith.constant 0 : i32
    %c0_i32_0 = arith.constant 0 : i32
    %c0_i32_1 = arith.constant 0 : i32
    return %arg0, %c0_i32, %c0_i32_0 : i32, i32, i32
  }
  func.func @transform_2(%arg0: i32, %arg1: i32) -> (i32, i32, i32) {
    %c0_i32 = arith.constant 0 : i32
    %c0_i32_0 = arith.constant 0 : i32
    %c0_i32_1 = arith.constant 0 : i32
    return %arg0, %c0_i32, %c0_i32_0 : i32, i32, i32
  }
  func.func @transform_3(%arg0: i32, %arg1: i32) -> (i32, i32, i32) {
    %c0_i32 = arith.constant 0 : i32
    %c0_i32_0 = arith.constant 0 : i32
    %c0_i32_1 = arith.constant 0 : i32
    return %arg0, %c0_i32, %c0_i32_0 : i32, i32, i32
  }
  func.func @transform_4(%arg0: i32, %arg1: i32) -> (i32, i32, i32) {
    %c0_i32 = arith.constant 0 : i32
    %c0_i32_0 = arith.constant 0 : i32
    %c0_i32_1 = arith.constant 0 : i32
    return %arg0, %c0_i32, %c0_i32_0 : i32, i32, i32
  }
  func.func @transform_5(%arg0: i32, %arg1: i32) -> (i32, i32, i32) {
    %c0_i32 = arith.constant 0 : i32
    %c0_i32_0 = arith.constant 0 : i32
    %c0_i32_1 = arith.constant 0 : i32
    return %arg0, %c0_i32, %c0_i32_0 : i32, i32, i32
  }
  func.func @transform_6(%arg0: i32, %arg1: i32) -> (i32, i32, i32) {
    %c0_i32 = arith.constant 0 : i32
    %c0_i32_0 = arith.constant 0 : i32
    %c0_i32_1 = arith.constant 0 : i32
    return %arg0, %c0_i32, %c0_i32_0 : i32, i32, i32
  }
  func.func @transform_7(%arg0: i32, %arg1: i32) -> (i32, i32, i32) {
    %c0_i32 = arith.constant 0 : i32
    %c0_i32_0 = arith.constant 0 : i32
    return %arg0, %arg1, %c0_i32 : i32, i32, i32
  }
  func.func @transform_8(%arg0: i32, %arg1: i32) -> (i32, i32, i32) {
    %c0_i32 = arith.constant 0 : i32
    %c0_i32_0 = arith.constant 0 : i32
    return %arg0, %arg1, %c0_i32 : i32, i32, i32
  }
  func.func @transform_9(%arg0: i32, %arg1: i32) -> (i32, i32, i32) {
    %c0_i32 = arith.constant 0 : i32
    %c0_i32_0 = arith.constant 0 : i32
    return %arg0, %arg1, %c0_i32 : i32, i32, i32
  }
  func.func @transform_10(%arg0: i32, %arg1: i32) -> (i32, i32, i32) {
    %c0_i32 = arith.constant 0 : i32
    %c0_i32_0 = arith.constant 0 : i32
    return %arg0, %arg1, %c0_i32 : i32, i32, i32
  }
  func.func @transform_11(%arg0: i32, %arg1: i32) -> (i32, i32, i32) {
    %c0_i32 = arith.constant 0 : i32
    %c0_i32_0 = arith.constant 0 : i32
    return %arg0, %arg1, %c0_i32 : i32, i32, i32
  }
  func.func @transform_12(%arg0: i32, %arg1: i32) -> (i32, i32, i32) {
    %c0_i32 = arith.constant 0 : i32
    %c0_i32_0 = arith.constant 0 : i32
    return %arg0, %arg1, %c0_i32 : i32, i32, i32
  }
  func.func @transform_13(%arg0: i32, %arg1: i32) -> (i32, i32, i32) {
    %c0_i32 = arith.constant 0 : i32
    %c0_i32_0 = arith.constant 0 : i32
    return %arg0, %arg1, %c0_i32 : i32, i32, i32
  }
  func.func @transform_14(%arg0: i32, %arg1: i32) -> (i32, i32, i32) {
    %c0_i32 = arith.constant 0 : i32
    %c0_i32_0 = arith.constant 0 : i32
    return %arg0, %arg1, %c0_i32 : i32, i32, i32
  }
  func.func @transform_15(%arg0: i32, %arg1: i32) -> (i32, i32, i32) {
    %c0_i32 = arith.constant 0 : i32
    %c0_i32_0 = arith.constant 0 : i32
    return %arg0, %arg1, %c0_i32 : i32, i32, i32
  }
  func.func @transform_16(%arg0: i32, %arg1: i32) -> (i32, i32, i32) {
    %c0_i32 = arith.constant 0 : i32
    %c0_i32_0 = arith.constant 0 : i32
    return %arg0, %arg1, %c0_i32 : i32, i32, i32
  }
  func.func @transform_17(%arg0: i32, %arg1: i32) -> (i32, i32, i32, i32) {
    %c0_i32 = arith.constant 0 : i32
    %c0_i32_0 = arith.constant 0 : i32
    %c0_i32_1 = arith.constant 0 : i32
    return %arg0, %arg1, %c0_i32, %c0_i32_0 : i32, i32, i32, i32
  }
  func.func @transform_18(%arg0: i32, %arg1: i32) -> (i32, i32, i32, i32) {
    %c0_i32 = arith.constant 0 : i32
    %c0_i32_0 = arith.constant 0 : i32
    %c0_i32_1 = arith.constant 0 : i32
    return %arg0, %arg1, %c0_i32, %c0_i32_0 : i32, i32, i32, i32
  }
}

</mosaic_0001>

<sc_bundles>
// kernel: gather_offload_async_start
scs
__scs_entry_jumppad:
0x0: {  	(pc) =	sbr.rel $0x88, $3  }
0x1: {  	(tag) =	ssettag $0x0;
	lr =	simm.s32 $0x1  }
0x2: {  	[smem:$0x3F9D] =	sst lr;
	_ =	strace $0xD0000000  }
0x3: {  	_ = 	snop  }
0x4: {  	_ = 	snop  }
0x5: {  	_ = 	snop  }
0x6: {  	_ = 	snop  }
0x7: {  	_ = 	snop  }
__scs_overlays_trampoline_lowered:
0x8: {  	[smem:$0x3FAC] =	sst s0  }
0x9: {  	[smem:$0x3FAD] =	sst s1  }
0xa: {  	[smem:$0x3FAE] =	sst s2  }
0xb: {  	[smem:$0x3FAF] =	sst s3  }
0xc: {  	[smem:$0x3FB0] =	sst s4  }
0xd: {  	[smem:$0x3FB1] =	sst s5  }
0xe: {  	[smem:$0x3FB2] =	sst s6  }
0xf: {  	[smem:$0x3FB3] =	sst s7  }
0x10: {  	[smem:$0x3FB4] =	sst s8  }
0x11: {  	[smem:$0x3FB5] =	sst s9;
	s0 =	simm.s32 @!p0 $0x0  }
0x12: {  	s1 =	sld [smem:$0x3F9B];
	s0 =	simm.s32 @p0 $0x1  }
0x13: {  	[smem:$0x3FB6] =	sst s0;
	s0 =	simm.s32 @!p1 $0x0  }
0x14: {  	s2 =	sld [smem:$0x3F9A];
	s0 =	simm.s32 @p1 $0x1  }
0x15: {  	[smem:$0x3FB7] =	sst s0;
	s0 =	simm.s32 @!p2 $0x0  }
0x16: {  	s3 =	sld [smem:$0x3FDB];
	s0 =	simm.s32 @p2 $0x1  }
0x17: {  	s4 =	simm.s32 $0x1BF5;
	[smem:$0x3FB9] =	sst s0  }
0x18: {  	s0 =	sld [smem:$0x3F9C];
	_ =	swait.ge [sflag:s4], $0x0  }
0x19: {  	s7 =	sld [smem:$0x3F9D]  }
0x1a: {  	s8 =	sadd.s32 $0xFFFFE003, lr  }
0x1b: {  	s9 =	sadd.s32 $0xFFFFFEF7, lr;
	s5 =	simm.s32 $0xFFFFFFFF;
	p2 =	slt.u32 s8, $0xFFFFF086  }
0x1c: {  	p1 =	slt.u32 s9, $0xF7A;
	s5 =	simm.s32 @!p2 $0x0  }
0x1d: {  	s5 =	simm.s32 @p1 $0x1;
	p0 =	seq.s32 s7, s2  }
0x1e: {  	s7 =	smul.u32 @!p0 $0xF7A, s2;
	p2 =	seq.s32 @!p0 s5, $0x0  }
0x1f: {  	s9 =	smul.u32 $0xF7A, s1;
	s8 =	simm.s32 @!p0 $0x1BF5;
	p2 =	por !p2, p0  }
0x20: {  	[sflag:s8] =	ssyncset.s32 @!p0 $0xFFFFF086;
	s6 =	sadd.s32 @!p0 s3, s7;
	s7 =	simm.s32 @!p0 $0x108  }
0x21: {  	s3 =	sadd.s32 s3, s9;
	s6 =	sadd.s32 @!p0 $0x88, s6;
	s7 =	simm.s32 @p2 $0x1082  }
0x22: {  	[simem:s7], [sflag:s8] =	dma.local @!p0 [hbm:s6], $0xF7A  }
0x23: {  	s9 =	sor.u32 $0xD0000000, s2;
	s6 =	simm.s32 $0x108;
	_ =	swait.ge @!p0 [sflag:s8], $0x0  }
0x24: {  	s3 =	sadd.s32 $0x88, s3;
	s6 =	simm.s32 @!p1 $0x1082;
	[sflag:s4] =	ssyncset.s32 $0xFFFFF086  }
0x25: {  	[simem:s6], [sflag:s4] =	dma.local [hbm:s3], $0xF7A  }
0x26: {  	[smem:$0x3F9D] =	sst s1;
	(tag) =	ssettag s2;
	_ =	strace s9  }
0x27: {  	s1 =	sld [smem:$0x3FAD]  }
0x28: {  	s2 =	sld [smem:$0x3FAE]  }
0x29: {  	s4 =	sld [smem:$0x3FB0]  }
0x2a: {  	p0 =	seq.s32 s5, $0x0;
	s5 =	sld [smem:$0x3FB1]  }
0x2b: {  	s6 =	sld [smem:$0x3FB2]  }
0x2c: {  	s7 =	sld [smem:$0x3FB3]  }
0x2d: {  	s3 =	simm.s32 $0x108;
	s8 =	sld [smem:$0x3FB4]  }
0x2e: {  	s3 =	simm.s32 @!p0 $0x1082;
	s9 =	sld [smem:$0x3FB5]  }
0x2f: {  	lr =	sadd.s32 s0, s3;
	s0 =	sld [smem:$0x3FAC]  }
0x30: {  	s3 =	sld [smem:$0x3FAF]  }
0x31: {  	[smem:$0x3FB8] =	sst s10  }
0x32: {  	s10 =	sld [smem:$0x3FB6];
	_ =	sdelay $0x3  }
0x33: {  	p0 =	seq.s32 s10, $0x1;
	s10 =	sld [smem:$0x3FB8];
	_ =	sdelay $0x3  }
0x34: {  	[smem:$0x3FB8] =	sst s10  }
0x35: {  	s10 =	sld [smem:$0x3FB7];
	_ =	sdelay $0x3  }
0x36: {  	p1 =	seq.s32 s10, $0x1;
	s10 =	sld [smem:$0x3FB8];
	_ =	sdelay $0x3  }
0x37: {  	[smem:$0x3FB8] =	sst s10  }
0x38: {  	s10 =	sld [smem:$0x3FB9]  }
0x39: {  	_ = 	snop;
	(pc) =	sbr.ind lr, $3  }
0x3a: {  	_ = 	snop  }
0x3b: {  	_ = 	snop  }
0x3c: {  	p2 =	seq.s32 s10, $0x1;
	s10 =	sld [smem:$0x3FB8]  }
0x3d: {  	_ =	shalt  }
0x3e: {  	_ =	shalt  }
0x3f: {  	_ =	shalt  }
0x40: {  	_ =	shalt  }
0x41: {  	_ =	shalt  }
0x42: {  	_ =	shalt  }
0x43: {  	_ =	shalt  }
0x44: {  	_ =	shalt  }
0x45: {  	_ =	shalt  }
0x46: {  	_ =	shalt  }
0x47: {  	_ =	shalt  }
0x48: {  	_ =	shalt  }
0x49: {  	_ =	shalt  }
0x4a: {  	_ =	shalt  }
0x4b: {  	_ =	shalt  }
0x4c: {  	_ =	shalt  }
0x4d: {  	_ =	shalt  }
0x4e: {  	_ =	shalt  }
0x4f: {  	_ =	shalt  }
0x50: {  	_ =	shalt  }
0x51: {  	_ =	shalt  }
0x52: {  	_ =	shalt  }
0x53: {  	_ =	shalt  }
0x54: {  	_ =	shalt  }
0x55: {  	_ =	shalt  }
0x56: {  	_ =	shalt  }
0x57: {  	_ =	shalt  }
0x58: {  	_ =	shalt  }
0x59: {  	_ =	shalt  }
0x5a: {  	_ =	shalt  }
0x5b: {  	_ =	shalt  }
0x5c: {  	_ =	shalt  }
0x5d: {  	_ =	shalt  }
0x5e: {  	_ =	shalt  }
0x5f: {  	_ =	shalt  }
0x60: {  	_ =	shalt  }
0x61: {  	_ =	shalt  }
0x62: {  	_ =	shalt  }
0x63: {  	_ =	shalt  }
0x64: {  	_ =	shalt  }
0x65: {  	_ =	shalt  }
0x66: {  	_ =	shalt  }
0x67: {  	_ =	shalt  }
0x68: {  	_ =	shalt  }
0x69: {  	_ =	shalt  }
0x6a: {  	_ =	shalt  }
0x6b: {  	_ =	shalt  }
0x6c: {  	_ =	shalt  }
0x6d: {  	_ =	shalt  }
0x6e: {  	_ =	shalt  }
0x6f: {  	_ =	shalt  }
0x70: {  	_ =	shalt  }
0x71: {  	_ =	shalt  }
0x72: {  	_ =	shalt  }
0x73: {  	_ =	shalt  }
0x74: {  	_ =	shalt  }
0x75: {  	_ =	shalt  }
0x76: {  	_ =	shalt  }
0x77: {  	_ =	shalt  }
0x78: {  	_ =	shalt  }
0x79: {  	_ =	shalt  }
0x7a: {  	_ =	shalt  }
0x7b: {  	_ =	shalt  }
0x7c: {  	_ =	shalt  }
0x7d: {  	_ =	shalt  }
0x7e: {  	_ =	shalt  }
0x7f: {  	_ =	shalt  }
0x80: {  	_ =	shalt  }
0x81: {  	_ =	shalt  }
0x82: {  	_ =	shalt  }
0x83: {  	_ =	shalt  }
0x84: {  	_ =	shalt  }
0x85: {  	_ =	shalt  }
0x86: {  	_ =	shalt  }
0x87: {  	_ =	shalt  }
.Lfunc_end0:
.L_simem_size_0:
called_computation_lowered:
.L_overlay_start_0:
0x88: {  	s2 =	sld [smem:$0x3FD9]  }
0x89: {  	s3 =	sld [smem:$0x3FFE];
	_ =	sdelay $0x1  }
0x8a: {  	s1 =	srdreg.scid  }
0x8b: {  	s0 =	sand.u32 $0x1, s1  }
0x8c: {  	s16 =	sshll.u32 s0, $0xA;
	s2 =	sadd.s32 s3, s2  }
0x8d: {  	s2 =	sadd.s32 s2, s16  }
0x8e: {  	[smem:$0x3FC4] =	sst s2  }
0x8f: {  	_ = 	snop  }
0x90: {  	(tm) =	ssettm $0x1  }
0x91: {  	s17 =	sld [smem:$0x3FFB];
	_ =	sdelay $0x3  }
0x92: {  	_ =	strace s17  }
0x93: {  	s2 =	sld [smem:$0x3FFC];
	_ =	sdelay $0x3  }
0x94: {  	_ =	strace s2  }
0x95: {  	s2 =	sld [smem:$0x3FFD];
	_ =	sdelay $0x3  }
0x96: {  	_ =	strace s2  }
0x97: {  	_ =	strace $0x8FFFFFFF  }
0x98: {  	s18 =	sld [smem:$0x3FDB];
	_ =	sdelay $0x1  }
0x99: {  	s19 =	simm.s32 $_scs_section_size  }
0x9a: {  	s4 =	simm.s32 $_size__tile_overlayer_lowered;
	s5 =	simm.s32 $_tile_overlayer_lowered  }
0x9b: {  	s22 =	simm.s32 $0x1BFF;
	s21 =	sshll.u32 s5, $0x1;
	s2 =	sadd.s32 s19, s18  }
0x9c: {  	s6 =	simm.s32 $0x0;
	s20 =	sshll.u32 s4, $0x1;
	s4 =	sadd.s32 s21, s2  }
0x9d: {  	[timem:s6], [sflag:s22] =	dma.local [hbm:s4], s20  }
0x9e: {  	_ =	swait.ge [sflag:s22], s20  }
0x9f: {  	s3 =	ssub.s32 $0x0, s20;
	[sflag:s22] =	ssyncset.done $0x0  }
0xa0: {  	[sflag:s22] =	ssyncadd.s32 s3;
	_ =	sdelay $0x1  }
0xa1: {  	s23 =	simm.s32 $0x1B8B  }
0xa2: {  	_ =	swait.ge [sflag:s23], $0x1  }
0xa3: {  	[sflag:s23] =	ssyncset.done $0x0  }
0xa4: {  	s25 =	simm.s32 $0x1B8E;
	s24 =	sld [smem:$0x3FFE];
	[sflag:s23] =	ssyncadd.s32 $0xFFFFFFFF  }
0xa5: {  	s26 =	simm.s32 $execute0_lowered;
	[smem:$0x3FD2] =	sst s25  }
0xa6: {  	s4 =	sshll.u32 s26, $0x1;
	_ =	strace $0x80000046;
	[dreg:$0x1] =	wrdreg $0xFFFFFFFF  }
0xa7: {  	s28 =	simm.s32 $_size_execute0_lowered;
	s2 =	sadd.s32 s2, s4;
	[dreg:$0x0] =	wrdreg $0x0  }
0xa8: {  	s4 =	sshll.u32 s28, $0x1;
	[dreg:$0x2] =	wrdreg s2  }
0xa9: {  	[dreg:$0x3] =	wrdreg s4  }
0xaa: {  	[dreg:$0x4] =	wrdreg $0xC0  }
0xab: {  	_ =	task [dreg:s6], $0x5FFFF  }
0xac: {  	[dreg:$0x1] =	wrdreg $0xFFFFFFFF  }
0xad: {  	[dreg:$0x0] =	wrdreg $0x60  }
0xae: {  	[dreg:$0x2] =	wrdreg s24  }
0xaf: {  	[dreg:$0x3] =	wrdreg $0x9  }
0xb0: {  	_ =	task.clear_ibuf [dreg:s6], $0x4FFFF;
	_ =	strace $0x90000046  }
0xb1: {  	s29 =	simm.s32 $0x9;
	_ =	strace $0x80000048  }
0xb2: {  	_ =	swait.ge [sflag:s29], $0x1  }
0xb3: {  	[sflag:s29] =	ssyncadd.s32 $0xFFFFFFFF  }
0xb4: {  	_ =	strace $0x90000048  }
0xb5: {  	_ =	sfence  }
0xb6: {  	s30 =	sld [smem:$0x0];
	_ =	sdelay $0x2  }
0xb7: {  	s31 =	sshll.u32 s1, $0xD;
	s1 =	sshrl.u32 s1, $0x2  }
0xb8: {  	s3 =	sand.u32 $0x4000, s31;
	s1 =	sadd.s32 s1, s30  }
0xb9: {  	s0 =	sor.u32 s3, s0;
	s1 =	sshll.u32 s1, $0x11  }
0xba: {  	s0 =	sor.u32 s1, s0  }
0xbb: {  	s0 =	sadd.s32 $0x8F2B, s0  }
0xbc: {  	[sflag:s0] =	ssyncadd.remote.s32 $0x1  }
0xbd: {  	_ =	sfence.sel $0xFFFF  }
0xbe: {  	[dreg:$0x0] =	wrdreg $0xFFFFFFFF;
	(pc) =	sbr.abs _section_cstart, $3  }
0xbf: {  	[dreg:$0x1] =	wrdreg $0xFFFFFFFF  }
0xc0: {  	_ =	task.clear_ibuf [dreg:s6], $0x2FFFF;
	_ =	strace $0x9FFFFFFF  }
0xc1: {  	(tm) =	ssettm $0x7FFFFFFF  }
tec
execute0_lowered:
.L_overlay_start_1:
0x0: {  	(tag) =	ssettag $0x1  }
0x1: {  	s0 =	srdreg.scid;
	s5 =	rddreg [dreg:$0x0]  }
0x2: {  	s1 =	stileid.u32;
	s6 =	simm.s32 $0x1;
	s9 =	simm.s32 $0x1  }
0x3: {  	s10 =	simm.s32 $0x3;
	s13 =	simm.s32 $0x0;
	s2 =	sshll.u32 s0, $0x6  }
0x4: {  	s12 =	simm.s32 $0x0;
	s3 =	sshll.u32 s1, $0x7;
	s2 =	sand.u32 $0x40, s2  }
0x5: {  	s0 =	rddreg [dreg:$0x1];
	_ =	strace $0x80000047;
	s2 =	sor.u32 s3, s2  }
0x6: {  	s4 =	sadd.s32 $0xC00, s5;
	[sflag:s6] =	ssyncpa.u1 $0x0;
	s8 =	ssub.s32 $0x1000, s2  }
.Ltmp0:
0x7: {  	s3 =	sadd.s32 $0x400, s5;
	s7 =	sand.u32 $0x7C0, s8;
	(pc) =	sbr.rel .LBB2_1-.Ltmp0, $4  }
0x8: {  	s5 =	sadd.s32 $0xE00, s5;
	s11 =	smov.u32 s2;
	p0 =	sne.s32 s7, $0x0  }
0x9: {  	s8 =	sshrl.u32 s8, $0xB;
	s7 =	simm.s32 $0x2;
	s9 =	simm.s32 @!p0 $0x0  }
0xa: {  	[sflag:s7] =	ssyncpa.u1 $0x0;
	p0 =	por $0x0, $0x0;
	s8 =	sadd.s32 s9, s8  }
0xb: {  	vm0 =	vmmov $0xffff;
	[sflag:s10] =	ssyncpa.u1 $0x0;
	s10 =	simm.s32 $0x0;
	s9 =	sadd.s32 $0x1, s8  }
.LBB2_4:
0xc: {  	vm1 =	veq.s32 v1, $0x80000000;
	v2 =	vand.u32 $0xFFF, v2  }
0xd: {  	v63 =	vand.u32 $0x3, v1;
	v2 =	vsel vm1, $0xFFFFFFFF, v2  }
0xe: {  	v1 =	vsel vm1, $0xFFFFFFFF, v63;
	v3 =	vshll.u32 v2, $0x2  }
0xf: {  	v4 =	vand.u32 $0xFFFFC000, v1;
	v1 =	vshll.u32 v1, $0x7;
	v3 =	vand.u32 $0xFFFFFE00, v3  }
0x10: {  	v1 =	vand.u32 $0x180, v1;
	v3 =	vadd.s32 v4, v3  }
0x11: {  	v2 =	vand.u32 $0x7F, v2;
	v1 =	vor.u32 v1, v3  }
0x12: {  	v1 =	vor.u32 v2, v1;
	_ =	sdelay $0x1  }
0x13: {  	(ifvalue) =	ssetifvalue $0x7FFFFFFF;
	s14 =	sadd.s32 $0x10, s14  }
0x14: {  	[tilespmem:s14], [sflag:$0x1] =	stream.indirect_vreg.gather [hbm4b:s3+s10], $0x1, v0, vm0, $0x4038;
	[tilespmem:$0x100] =	vst v63  }
0x15: {  	(ifvalue) =	ssetifvalue $0x7FFFFFFF;
	s14 =	sadd.s32 $0x10, s14  }
0x16: {  	[tilespmem:s14], [sflag:$0x1] =	stream.indirect_vreg.gather [hbm4b:s3+s10], $0x1, v1, vm0, $0x4038;
	[tilespmem:$0x100] =	vst v63  }
0x17: {  	_ =	swait.ge [sflag:s6], $0x40  }
0x18: {  	s30 =	sshrl.u32 s13, $0x3;
	[sflag:s6] =	ssyncset.done $0x0  }
0x19: {  	s31 =	sand.u32 $0x7, s13;
	s14 =	sadd.s32 s5, s30;
	[sflag:s6] =	ssyncadd.s32 $0xFFFFFFC0  }
0x1a: {  	[hbm4b:s14+s31] =	stream.linear.scatter [tilespmem:s15], [sflag:$0x3], $0x40, $0x38;
	[tilespmem:$0x100] =	vst v63  }
.LBB2_5:
0x1b: {  	s15 =	sadd.s32 $0x800, s11  }
0x1c: {  	p2 =	sgt.s32 s15, $0xFFF  }
0x1d: {  	s15 =	smov.u32 @p2 s2;
	p2 =	sne.s32 s12, s9  }
.Ltmp1:
0x1e: {  	p1 =	slt.u32 s12, $0x2;
	(pc) =	sbr.rel @!p2 .LBB2_6-.Ltmp1, $4  }
0x1f: {  	s14 =	simm.s32 @!p1 $0x3  }
0x20: {  	s16 =	sadd.s32 $0x1, s12;
	_ =	swait.ge @!p1 [sflag:s14], $0x40  }
0x21: {  	s13 =	smov.u32 s11;
	p0 =	por !p0, !p0;
	[sflag:s14] =	ssyncset.done @!p1 $0x0  }
0x22: {  	s12 =	smov.u32 s16;
	s11 =	smov.u32 s15;
	[sflag:s14] =	ssyncadd.s32 @!p1 $0xFFFFFFC0  }
.LBB2_1:
0x23: {  	p1 =	sge.u32 s12, s8  }
0x24: {  	s14 =	sxor.u32 @!p1 $0xFFFFFFFF, s12  }
0x25: {  	s31 =	sadd.s32 $0xFFFFFFFF, s12;
	s15 =	sshrl.u32 @!p1 s11, $0x3;
	s14 =	sshll.u32 @!p1 s14, $0x6  }
0x26: {  	s16 =	sand.u32 @!p1 $0x7, s11;
	s15 =	sadd.s32 @!p1 s4, s15;
	s14 =	sand.u32 @!p1 $0x40, s14  }
0x27: {  	[tilespmem:s14], [sflag:$0x2] =	stream.linear.gather @!p1 [hbm4b:s15+s16], $0x40, $0x38;
	[tilespmem:$0x100] =	vst v63  }
0x28: {  	p1 =	sge.u32 s31, s8  }
.Ltmp2:
0x29: {  	_ = 	snop;
	(pc) =	sbr.rel @p1 .LBB2_5-.Ltmp2, $1  }
0x2a: {  	_ =	sdelay $0x3  }
0x2b: {  	s14 =	simm.s32 $0x1  }
0x2c: {  	_ =	swait.ge [sflag:s7], $0x40;
	s14 =	simm.s32 @!p0 $0x0  }
0x2d: {  	[sflag:s7] =	ssyncset.done $0x0;
	s14 =	sshll.u32 s14, $0x6  }
0x2e: {  	[sflag:s7] =	ssyncadd.s32 $0xFFFFFFC0;
	(ifvalue) =	ssetifvalue $0x7FFFFFFF;
	v0 =	vld.msk [tilespmem:s14+$0x0 ss:$0x1], $0xffff;
	_ =	sdelay $0x4  }
0x2f: {  	s15 =	sadd.s32 $0x10, s14;
	v1 =	vshrl.u32 v0, $0x2  }
0x30: {  	v2 =	vld.msk [tilespmem:s15+$0x0 ss:$0x1], $0xffff;
	vm1 =	veq.s32 v0, $0x80000000;
	v1 =	vand.u32 $0xFFF, v1  }
0x31: {  	v0 =	vand.u32 $0x3, v0;
	v1 =	vsel vm1, $0xFFFFFFFF, v1  }
0x32: {  	v0 =	vsel vm1, $0xFFFFFFFF, v0;
	v3 =	vshll.u32 v1, $0x2  }
0x33: {  	v4 =	vand.u32 $0xFFFFC000, v0;
	v0 =	vshll.u32 v0, $0x7;
	v3 =	vand.u32 $0xFFFFFE00, v3  }
0x34: {  	v0 =	vand.u32 $0x180, v0;
	v3 =	vadd.s32 v4, v3  }
0x35: {  	v1 =	vand.u32 $0x7F, v1;
	v0 =	vor.u32 v0, v3;
	v3 =	vshrl.u32 v2, $0x2  }
0x36: {  	s17 =	sadd.s32 $0x10, s15;
	vm1 =	veq.s32 v2, $0x80000000;
	v0 =	vor.u32 v1, v0;
	v3 =	vand.u32 $0xFFF, v3  }
0x37: {  	v2 =	vand.u32 $0x3, v2;
	v1 =	vld.msk [tilespmem:s17+$0x0 ss:$0x1], $0xffff;
	v3 =	vsel vm1, $0xFFFFFFFF, v3  }
0x38: {  	v2 =	vsel vm1, $0xFFFFFFFF, v2;
	v63 =	vshll.u32 v3, $0x2  }
0x39: {  	s31 =	sshll.u32 s12, $0x6;
	v5 =	vand.u32 $0xFFFFC000, v2;
	v2 =	vshll.u32 v2, $0x7;
	v4 =	vand.u32 $0xFFFFFE00, v63  }
0x3a: {  	s14 =	sor.u32 $0x80, s14;
	s15 =	sand.u32 $0x40, s31;
	(ifvalue) =	ssetifvalue $0x7FFFFFFF;
	v2 =	vand.u32 $0x180, v2;
	v4 =	vadd.s32 v5, v4  }
0x3b: {  	[tilespmem:s14], [sflag:$0x1] =	stream.indirect_vreg.gather [hbm4b:s3+s10], $0x1, v0, vm0, $0x4038;
	v0 =	vand.u32 $0x7F, v3;
	v3 =	vor.u32 v2, v4;
	[tilespmem:$0x100] =	vst v63  }
0x3c: {  	s16 =	simm.s32 $0x20;
	s15 =	sor.u32 $0x80, s15;
	s17 =	sadd.s32 $0x10, s17;
	v2 =	vshrl.u32 v1, $0x2;
	v0 =	vor.u32 v0, v3  }
.LBB2_3:
0x3d: {  	v3 =	vld.msk [tilespmem:s17+$0x0 ss:$0x1], $0xffff;
	s16 =	sadd.s32 $0x10, s16;
	vm1 =	veq.s32 v1, $0x80000000;
	v2 =	vand.u32 $0xFFF, v2  }
0x3e: {  	v1 =	vand.u32 $0x3, v1;
	p1 =	slt.u32 s16, $0x30;
	v2 =	vsel vm1, $0xFFFFFFFF, v2  }
.Ltmp3:
0x3f: {  	v1 =	vsel vm1, $0xFFFFFFFF, v1;
	v4 =	vshll.u32 v2, $0x2;
	(pc) =	sbr.rel @p1 .LBB2_3-.Ltmp3, $4  }
0x40: {  	s14 =	sadd.s32 $0x10, s14;
	v5 =	vand.u32 $0xFFFFC000, v1;
	v1 =	vshll.u32 v1, $0x7;
	v4 =	vand.u32 $0xFFFFFE00, v4;
	(ifvalue) =	ssetifvalue $0x7FFFFFFF  }
0x41: {  	v4 =	vadd.s32 v5, v4;
	v5 =	vand.u32 $0x180, v1;
	[tilespmem:s14], [sflag:$0x1] =	stream.indirect_vreg.gather [hbm4b:s3+s10], $0x1, v0, vm0, $0x4038;
	[tilespmem:$0x100] =	vst v63  }
0x42: {  	v0 =	vand.u32 $0x7F, v2;
	v4 =	vor.u32 v5, v4  }
0x43: {  	s17 =	sadd.s32 $0x10, s17;
	v2 =	vshrl.u32 v3, $0x2;
	v1 =	vmov v3;
	v0 =	vor.u32 v0, v4  }
.Ltmp4:
0x44: {  	_ = 	snop;
	(pc) =	sbr.rel .LBB2_4-.Ltmp4, $1  }
0x45: {  	_ =	sdelay $0x3  }
.LBB2_6:
0x46: {  	_ =	sfence.sel $0x180000  }
0x47: {  	s2 =	simm.s32 $0x2;
	[bflag:$0x0] =	sbarrier.arrive $0xFFFF  }
0x48: {  	s30 =	simm.s32 $0x3;
	[sflag:s2] =	ssyncpa.u1 $0x1  }
0x49: {  	s31 =	simm.s32 $0x1;
	[sflag:s30] =	ssyncpa.u1 $0x1  }
0x4a: {  	[sflag:s31] =	ssyncpa.u1 $0x1  }
0x4b: {  	p0 =	sne.s32 s1, $0x0;
	_ =	strace $0x90000047  }
0x4c: {  	s0 =	sadd.s32 @!p0 $0x100000, s0;
	[bflag:$0x2] =	sbarrier.arrive $0xFFFF  }
0x4d: {  	[sflag:s0] =	ssyncadd.tile.s32 @!p0 $0x1;
	_ =	shalt  }
.Lfunc_end2:
_tile_overlayer_lowered:
.L_overlay_start_2:
0x4e: {  	(tag) =	ssettag $0x2  }
0x4f: {  	s0 =	rddreg [dreg:$0x0];
	s2 =	stileid.u32  }
0x50: {  	s1 =	rddreg [dreg:$0x1];
	p0 =	sne.s32 s2, $0x0  }
0x51: {  	s3 =	rddreg [dreg:$0x2];
	[bflag:$0x3] =	sbarrier.arrive $0xFFFF;
	s2 =	simm.s32 @!p0 $0x1C01  }
0x52: {  	[timem:s3], [sflag:s2] =	dma.local @!p0 [hbm:s0], s1  }
0x53: {  	s0 =	simm.s32 @!p0 $0x1  }
0x54: {  	_ =	swait.ge @!p0 [sflag:s0], s1  }
0x55: {  	s1 =	ssub.s32 @!p0 $0x0, s1;
	[sflag:s0] =	ssyncset.done @!p0 $0x0  }
0x56: {  	[sflag:s0] =	ssyncadd.s32 @!p0 s1  }
0x57: {  	[bflag:$0x3] =	sbarrier.arrive $0xFFFF  }
0x58: {  	_ =	shalt  }

</sc_bundles>
